<compile_context>
chip_gen: v7x
topology: tpu7x:2x2x1
jax: 0.10.2.dev20260603
libtpu: 0.0.44.dev20260713+nightly
codegen_flags: <defaults>
</compile_context>

<pallas_src>
import functools

import jax
import jax.numpy as jnp
from jax import lax
from jax.experimental import pallas as pl
from jax.experimental.pallas import tpu as pltpu
from jax.experimental.pallas import tpu_sc as plsc

_CHUNK = 4096



def _codes_body(zm2_ref, et_ref, a_ref, c_ref, codes_ref):
    zm2 = zm2_ref[...]
    et = et_ref[...]
    k = et.shape[1]
    bm = zm2.shape[0]
    a = a_ref[...]
    c = c_ref[...]
    n_chunk = k // _CHUNK
    cols = _CHUNK // 128
    wv, wi = [], []
    for t in range(n_chunk):
        acc_v = None
        acc_j = None
        for js in range(0, cols, 4):
            lo = t * _CHUNK + js * 128
            m2 = jnp.dot(zm2, et[:, lo:lo + 512],
                         preferred_element_type=jnp.float32)
            vs = (a + m2) + c[:, lo:lo + 512]
            for jj in range(4):
                j = js + jj
                v = vs[:, jj * 128:(jj + 1) * 128]
                if acc_v is None:
                    acc_v = v
                    acc_j = jnp.zeros((bm, 128), jnp.int32)
                else:
                    lt = v < acc_v
                    acc_v = jnp.where(lt, v, acc_v)
                    acc_j = jnp.where(lt, j, acc_j)
        lane = lax.broadcasted_iota(jnp.int32, (bm, 128), 1)
        gk = t * _CHUNK + acc_j * 128 + lane
        mn = jnp.min(acc_v, axis=1, keepdims=True)
        idx = jnp.min(jnp.where(acc_v == mn, gk, k), axis=1)
        wv.append(mn[:, 0])
        wi.append(idx)

    def round_bf16(v):
        u = lax.bitcast_convert_type(v, jnp.uint32)
        lsb = (u >> jnp.uint32(16)) & jnp.uint32(1)
        u = (u + jnp.uint32(0x7FFF) + lsb) & jnp.uint32(0xFFFF0000)
        return lax.bitcast_convert_type(u, jnp.float32)

    def comb(av, ai, bv, bi):
        ab = round_bf16(av)
        take_b = (bv < ab) | ((bv == ab) & (bi < ai))
        return jnp.where(take_b, bv, av), jnp.where(take_b, bi, ai)

    av, ai = wv[0], wi[0]
    for t in range(1, n_chunk):
        av, ai = comb(av, ai, wv[t], wi[t])
    codes_ref[...] = ai


def _compute_codes(z, e_t, a, c, bm):
    b, d = z.shape
    k = e_t.shape[1]
    return pl.pallas_call(
        _codes_body,
        grid=(b // bm,),
        in_specs=[
            pl.BlockSpec((bm, d), lambda i: (i, 0)),
            pl.BlockSpec((d, k), lambda i: (0, 0)),
            pl.BlockSpec((bm, 1), lambda i: (i, 0)),
            pl.BlockSpec((1, k), lambda i: (0, 0)),
        ],
        out_specs=pl.BlockSpec((bm,), lambda i: (i,)),
        out_shape=jax.ShapeDtypeStruct((b,), jnp.int32),
    )(z, e_t, a, c)



def _make_sc_gather(b, d, k, nw):
    b_per_w = b // nw
    n_chunk = b_per_w // 128
    mesh = plsc.VectorSubcoreMesh(core_axis_name="c", subcore_axis_name="s")

    @functools.partial(
        pl.kernel,
        mesh=mesh,
        out_type=[
            jax.ShapeDtypeStruct((b, d), jnp.float32),
            jax.ShapeDtypeStruct((nw, 16), jnp.float32),
        ],
        scratch_types=[
            pltpu.VMEM((n_chunk, 128), jnp.int32),
            pltpu.VMEM((128, 128), jnp.float32),
            pltpu.VMEM((128, d), jnp.float32),
            pltpu.VMEM((128, d), jnp.float32),
            pltpu.VMEM((16,), jnp.float32),
            pltpu.SemaphoreType.DMA,
        ],
    )
    def sc_kernel(e_hbm, codes_hbm, z_hbm, zq_hbm, part_hbm,
                  idx_v, rows_v, z_v, out_v, acc_v, sem):
        wid = lax.axis_index("s") * 2 + lax.axis_index("c")
        base = wid * b_per_w
        for j in range(n_chunk):
            pltpu.sync_copy(codes_hbm.at[pl.ds(base + j * 128, 128)],
                            idx_v.at[j])

        zero = jnp.zeros((16,), jnp.float32)
        acc0, acc1 = zero, zero
        for j in range(n_chunk):
            cp = pltpu.async_copy(e_hbm.at[idx_v.at[j]], rows_v, sem)
            pltpu.sync_copy(z_hbm.at[pl.ds(base + j * 128, 128)], z_v)
            cp.wait()

            def body(r, acc):
                a0, a1 = acc
                zq0 = rows_v[r, pl.ds(0, 16)]
                z0 = z_v[r, pl.ds(0, 16)]
                d0 = zq0 - z0
                out_v[r, pl.ds(0, 16)] = z0 + d0
                zq1 = rows_v[r, pl.ds(16, 16)]
                z1 = z_v[r, pl.ds(16, 16)]
                d1 = zq1 - z1
                out_v[r, pl.ds(16, 16)] = z1 + d1
                return (a0 + d0 * d0, a1 + d1 * d1)

            acc0, acc1 = lax.fori_loop(0, 128, body, (acc0, acc1))
            pltpu.sync_copy(out_v, zq_hbm.at[pl.ds(base + j * 128, 128)])
        acc_v[...] = acc0 + acc1
        pltpu.sync_copy(acc_v, part_hbm.at[wid])

    return sc_kernel


def kernel(z, embedding_weight):
    b, d = z.shape
    k = embedding_weight.shape[0]
    e_t = embedding_weight.T
    a = jnp.sum(z ** 2, axis=1, keepdims=True)
    c = jnp.sum(embedding_weight ** 2, axis=1).reshape(1, k)
    codes = _compute_codes(-2.0 * z, e_t, a, c, bm=2048)
    nw = 32
    e_pad = jnp.pad(embedding_weight, ((0, 0), (0, 128 - d)))
    z_q_st, partials = _make_sc_gather(b, d, k, nw)(
        e_pad, codes, z)
    m = jnp.sum(partials) / (b * d)
    commit_loss = 10.0 * (0.25 * m + m)
    return (z_q_st, commit_loss, codes)

# --- scband reference (transcript-rebuilt; emitter-appended) ---
"""Pipeline reference for scband-shared-vector-quantizer-17008070492263 (READ-ONLY COPY).

The authoritative reference and input builder live on the scoring server;
editing this copy changes nothing except your own understanding.
"""

import jax, jax.numpy as jnp
import numpy as np

B = 16384
D = 32
K = 8192

def setup_inputs(seed: int = 0) -> dict:
    key = jax.random.key(seed)
    k1, k2 = jax.random.split(key)
    z = jax.random.normal(k1, (B, D), dtype=jnp.float32)
    embedding_weight = jax.random.uniform(k2, (K, D), dtype=jnp.float32, minval=-1.0 / K, maxval=1.0 / K)
    return {"z": z, "embedding_weight": embedding_weight}

def reference(z, embedding_weight):
    # dist[b,k] = ||z_b||^2 - 2 z_b . e_k + ||e_k||^2
    dist = (jnp.sum(z ** 2, axis=1, keepdims=True)
            - 2.0 * (z @ embedding_weight.T)
            + jnp.sum(embedding_weight ** 2, axis=1)[None, :])
    codes = jnp.argmin(dist, axis=-1)
    z_q = jnp.take(embedding_weight, codes, axis=0)
    e_loss = jnp.mean((jax.lax.stop_gradient(z_q) - z) ** 2)
    q_loss = jnp.mean((z_q - jax.lax.stop_gradient(z)) ** 2)
    commit_loss = 10.0 * (0.25 * e_loss + q_loss)
    z_q_st = z + jax.lax.stop_gradient(z_q - z)
    return (z_q_st, commit_loss, codes)

if __name__ == "__main__":
    import jax
    _d = setup_inputs()
    print(jax.jit(kernel)(*tuple(_d.values())))

</pallas_src>

<mosaic_0001>
#map = affine_map<(d0, d1) -> (0, 0)>
#map1 = affine_map<(d0, d1) -> (0)>
module attributes {stable_mosaic.version = 14 : i64} {
  func.func @sc_kernel(%arg0: i32, %arg1: i32, %arg2: memref<8192x128xf32, #tpu.memory_space<hbm>>, %arg3: memref<16384xi32, #tpu.memory_space<hbm>>, %arg4: memref<16384x32xf32, #tpu.memory_space<hbm>>, %arg5: memref<16384x32xf32, #tpu.memory_space<hbm>>, %arg6: memref<32x16xf32, #tpu.memory_space<hbm>>, %arg7: memref<4x128xi32, #tpu.memory_space<vmem>>, %arg8: memref<128x128xf32, #tpu.memory_space<vmem>>, %arg9: memref<128x32xf32, #tpu.memory_space<vmem>>, %arg10: memref<128x32xf32, #tpu.memory_space<vmem>>, %arg11: memref<16xf32, #tpu.memory_space<vmem>>, %arg12: memref<!tpu.dma_semaphore, #tpu.memory_space<semaphore_mem>>) attributes {dimension_semantics = [#tpu.dimension_semantics<core_parallel>, #tpu.dimension_semantics<subcore_parallel>], iteration_bounds = array<i64: 2, 16>, scalar_prefetch = 0 : i64, scratch_operands = 6 : i64, tpu.core_type = #tpu.core_type<sc_vector_subcore>, window_params = [{transform_indices = #map}, {transform_indices = #map1}, {transform_indices = #map}, {transform_indices = #map}, {transform_indices = #map}]} {
    %mul3A = arith.constant 2 : i32
    %mul3A_0 = arith.muli %arg1, %mul3A : i32
    %add3A = arith.addi %mul3A_0, %arg0 : i32
    %mul3A_1 = arith.constant 512 : i32
    %mul3A_2 = arith.muli %add3A, %mul3A_1 : i32
    %add3A_3 = arith.constant 0 : i32
    %add3A_4 = arith.addi %mul3A_2, %add3A_3 : i32
    %run_scoped3A = arith.constant 0 : i32
    "tpu.region"() ({
      %run_scoped3A_112 = tpu.sem_alloc : memref<!tpu.dma_semaphore, #tpu.memory_space<semaphore_mem>>
      %dma_start3A_113 = arith.constant 0 : i32
      %dma_start3A_114 = tpu.memref_slice %arg7[%run_scoped3A, %dma_start3A_113] : memref<4x128xi32, #tpu.memory_space<vmem>> -> memref<1x128xi32, #tpu.memory_space<vmem>>
      %dma_start3A_115 = tpu.memref_squeeze %dma_start3A_114 : memref<1x128xi32, #tpu.memory_space<vmem>> -> memref<128xi32, #tpu.memory_space<vmem>>
      %dma_start3A_116 = tpu.memref_slice %arg3[%add3A_4] : memref<16384xi32, #tpu.memory_space<hbm>> -> memref<128xi32, #tpu.memory_space<hbm>>
      %dma_start3A_117 = arith.constant 0 : i32
      %dma_start3A_118 = tpu.memref_slice %arg7[%run_scoped3A, %dma_start3A_117] : memref<4x128xi32, #tpu.memory_space<vmem>> -> memref<1x128xi32, #tpu.memory_space<vmem>>
      %dma_start3A_119 = tpu.memref_squeeze %dma_start3A_118 : memref<1x128xi32, #tpu.memory_space<vmem>> -> memref<128xi32, #tpu.memory_space<vmem>>
      %dma_start3A_120 = tpu.memref_slice %arg3[%add3A_4] : memref<16384xi32, #tpu.memory_space<hbm>> -> memref<128xi32, #tpu.memory_space<hbm>>
      tpu.enqueue_dma source(%dma_start3A_120 : memref<128xi32, #tpu.memory_space<hbm>>) target(%dma_start3A_119 : memref<128xi32, #tpu.memory_space<vmem>>) target_semaphore(%run_scoped3A_112 : memref<!tpu.dma_semaphore, #tpu.memory_space<semaphore_mem>>)
      %dma_wait3A_121 = arith.constant 0 : i32
      %dma_wait3A_122 = tpu.memref_slice %arg7[%run_scoped3A, %dma_wait3A_121] : memref<4x128xi32, #tpu.memory_space<vmem>> -> memref<1x128xi32, #tpu.memory_space<vmem>>
      %dma_wait3A_123 = tpu.memref_squeeze %dma_wait3A_122 : memref<1x128xi32, #tpu.memory_space<vmem>> -> memref<128xi32, #tpu.memory_space<vmem>>
      %dma_wait3A_124 = tpu.memref_slice %arg3[%add3A_4] : memref<16384xi32, #tpu.memory_space<hbm>> -> memref<128xi32, #tpu.memory_space<hbm>>
      %dma_wait3A_125 = arith.constant 0 : i32
      %dma_wait3A_126 = tpu.memref_slice %arg7[%run_scoped3A, %dma_wait3A_125] : memref<4x128xi32, #tpu.memory_space<vmem>> -> memref<1x128xi32, #tpu.memory_space<vmem>>
      %dma_wait3A_127 = tpu.memref_squeeze %dma_wait3A_126 : memref<1x128xi32, #tpu.memory_space<vmem>> -> memref<128xi32, #tpu.memory_space<vmem>>
      %dma_wait3A_128 = tpu.memref_slice %arg3[%add3A_4] : memref<16384xi32, #tpu.memory_space<hbm>> -> memref<128xi32, #tpu.memory_space<hbm>>
      tpu.wait_dma2 semaphore(%run_scoped3A_112 : memref<!tpu.dma_semaphore, #tpu.memory_space<semaphore_mem>>) src(%dma_wait3A_128 : memref<128xi32, #tpu.memory_space<hbm>>) dst(%dma_wait3A_127 : memref<128xi32, #tpu.memory_space<vmem>>)
      tpu.yield
    }) : () -> ()
    %add3A_5 = arith.constant 128 : i32
    %add3A_6 = arith.addi %mul3A_2, %add3A_5 : i32
    %run_scoped3A_7 = arith.constant 1 : i32
    "tpu.region"() ({
      %run_scoped3A_112 = tpu.sem_alloc : memref<!tpu.dma_semaphore, #tpu.memory_space<semaphore_mem>>
      %dma_start3A_113 = arith.constant 0 : i32
      %dma_start3A_114 = tpu.memref_slice %arg7[%run_scoped3A_7, %dma_start3A_113] : memref<4x128xi32, #tpu.memory_space<vmem>> -> memref<1x128xi32, #tpu.memory_space<vmem>>
      %dma_start3A_115 = tpu.memref_squeeze %dma_start3A_114 : memref<1x128xi32, #tpu.memory_space<vmem>> -> memref<128xi32, #tpu.memory_space<vmem>>
      %dma_start3A_116 = tpu.memref_slice %arg3[%add3A_6] : memref<16384xi32, #tpu.memory_space<hbm>> -> memref<128xi32, #tpu.memory_space<hbm>>
      %dma_start3A_117 = arith.constant 0 : i32
      %dma_start3A_118 = tpu.memref_slice %arg7[%run_scoped3A_7, %dma_start3A_117] : memref<4x128xi32, #tpu.memory_space<vmem>> -> memref<1x128xi32, #tpu.memory_space<vmem>>
      %dma_start3A_119 = tpu.memref_squeeze %dma_start3A_118 : memref<1x128xi32, #tpu.memory_space<vmem>> -> memref<128xi32, #tpu.memory_space<vmem>>
      %dma_start3A_120 = tpu.memref_slice %arg3[%add3A_6] : memref<16384xi32, #tpu.memory_space<hbm>> -> memref<128xi32, #tpu.memory_space<hbm>>
      tpu.enqueue_dma source(%dma_start3A_120 : memref<128xi32, #tpu.memory_space<hbm>>) target(%dma_start3A_119 : memref<128xi32, #tpu.memory_space<vmem>>) target_semaphore(%run_scoped3A_112 : memref<!tpu.dma_semaphore, #tpu.memory_space<semaphore_mem>>)
      %dma_wait3A_121 = arith.constant 0 : i32
      %dma_wait3A_122 = tpu.memref_slice %arg7[%run_scoped3A_7, %dma_wait3A_121] : memref<4x128xi32, #tpu.memory_space<vmem>> -> memref<1x128xi32, #tpu.memory_space<vmem>>
      %dma_wait3A_123 = tpu.memref_squeeze %dma_wait3A_122 : memref<1x128xi32, #tpu.memory_space<vmem>> -> memref<128xi32, #tpu.memory_space<vmem>>
      %dma_wait3A_124 = tpu.memref_slice %arg3[%add3A_6] : memref<16384xi32, #tpu.memory_space<hbm>> -> memref<128xi32, #tpu.memory_space<hbm>>
      %dma_wait3A_125 = arith.constant 0 : i32
      %dma_wait3A_126 = tpu.memref_slice %arg7[%run_scoped3A_7, %dma_wait3A_125] : memref<4x128xi32, #tpu.memory_space<vmem>> -> memref<1x128xi32, #tpu.memory_space<vmem>>
      %dma_wait3A_127 = tpu.memref_squeeze %dma_wait3A_126 : memref<1x128xi32, #tpu.memory_space<vmem>> -> memref<128xi32, #tpu.memory_space<vmem>>
      %dma_wait3A_128 = tpu.memref_slice %arg3[%add3A_6] : memref<16384xi32, #tpu.memory_space<hbm>> -> memref<128xi32, #tpu.memory_space<hbm>>
      tpu.wait_dma2 semaphore(%run_scoped3A_112 : memref<!tpu.dma_semaphore, #tpu.memory_space<semaphore_mem>>) src(%dma_wait3A_128 : memref<128xi32, #tpu.memory_space<hbm>>) dst(%dma_wait3A_127 : memref<128xi32, #tpu.memory_space<vmem>>)
      tpu.yield
    }) : () -> ()
    %add3A_8 = arith.constant 256 : i32
    %add3A_9 = arith.addi %mul3A_2, %add3A_8 : i32
    %run_scoped3A_10 = arith.constant 2 : i32
    "tpu.region"() ({
      %run_scoped3A_112 = tpu.sem_alloc : memref<!tpu.dma_semaphore, #tpu.memory_space<semaphore_mem>>
      %dma_start3A_113 = arith.constant 0 : i32
      %dma_start3A_114 = tpu.memref_slice %arg7[%run_scoped3A_10, %dma_start3A_113] : memref<4x128xi32, #tpu.memory_space<vmem>> -> memref<1x128xi32, #tpu.memory_space<vmem>>
      %dma_start3A_115 = tpu.memref_squeeze %dma_start3A_114 : memref<1x128xi32, #tpu.memory_space<vmem>> -> memref<128xi32, #tpu.memory_space<vmem>>
      %dma_start3A_116 = tpu.memref_slice %arg3[%add3A_9] : memref<16384xi32, #tpu.memory_space<hbm>> -> memref<128xi32, #tpu.memory_space<hbm>>
      %dma_start3A_117 = arith.constant 0 : i32
      %dma_start3A_118 = tpu.memref_slice %arg7[%run_scoped3A_10, %dma_start3A_117] : memref<4x128xi32, #tpu.memory_space<vmem>> -> memref<1x128xi32, #tpu.memory_space<vmem>>
      %dma_start3A_119 = tpu.memref_squeeze %dma_start3A_118 : memref<1x128xi32, #tpu.memory_space<vmem>> -> memref<128xi32, #tpu.memory_space<vmem>>
      %dma_start3A_120 = tpu.memref_slice %arg3[%add3A_9] : memref<16384xi32, #tpu.memory_space<hbm>> -> memref<128xi32, #tpu.memory_space<hbm>>
      tpu.enqueue_dma source(%dma_start3A_120 : memref<128xi32, #tpu.memory_space<hbm>>) target(%dma_start3A_119 : memref<128xi32, #tpu.memory_space<vmem>>) target_semaphore(%run_scoped3A_112 : memref<!tpu.dma_semaphore, #tpu.memory_space<semaphore_mem>>)
      %dma_wait3A_121 = arith.constant 0 : i32
      %dma_wait3A_122 = tpu.memref_slice %arg7[%run_scoped3A_10, %dma_wait3A_121] : memref<4x128xi32, #tpu.memory_space<vmem>> -> memref<1x128xi32, #tpu.memory_space<vmem>>
      %dma_wait3A_123 = tpu.memref_squeeze %dma_wait3A_122 : memref<1x128xi32, #tpu.memory_space<vmem>> -> memref<128xi32, #tpu.memory_space<vmem>>
      %dma_wait3A_124 = tpu.memref_slice %arg3[%add3A_9] : memref<16384xi32, #tpu.memory_space<hbm>> -> memref<128xi32, #tpu.memory_space<hbm>>
      %dma_wait3A_125 = arith.constant 0 : i32
      %dma_wait3A_126 = tpu.memref_slice %arg7[%run_scoped3A_10, %dma_wait3A_125] : memref<4x128xi32, #tpu.memory_space<vmem>> -> memref<1x128xi32, #tpu.memory_space<vmem>>
      %dma_wait3A_127 = tpu.memref_squeeze %dma_wait3A_126 : memref<1x128xi32, #tpu.memory_space<vmem>> -> memref<128xi32, #tpu.memory_space<vmem>>
      %dma_wait3A_128 = tpu.memref_slice %arg3[%add3A_9] : memref<16384xi32, #tpu.memory_space<hbm>> -> memref<128xi32, #tpu.memory_space<hbm>>
      tpu.wait_dma2 semaphore(%run_scoped3A_112 : memref<!tpu.dma_semaphore, #tpu.memory_space<semaphore_mem>>) src(%dma_wait3A_128 : memref<128xi32, #tpu.memory_space<hbm>>) dst(%dma_wait3A_127 : memref<128xi32, #tpu.memory_space<vmem>>)
      tpu.yield
    }) : () -> ()
    %add3A_11 = arith.constant 384 : i32
    %add3A_12 = arith.addi %mul3A_2, %add3A_11 : i32
    %run_scoped3A_13 = arith.constant 3 : i32
    "tpu.region"() ({
      %run_scoped3A_112 = tpu.sem_alloc : memref<!tpu.dma_semaphore, #tpu.memory_space<semaphore_mem>>
      %dma_start3A_113 = arith.constant 0 : i32
      %dma_start3A_114 = tpu.memref_slice %arg7[%run_scoped3A_13, %dma_start3A_113] : memref<4x128xi32, #tpu.memory_space<vmem>> -> memref<1x128xi32, #tpu.memory_space<vmem>>
      %dma_start3A_115 = tpu.memref_squeeze %dma_start3A_114 : memref<1x128xi32, #tpu.memory_space<vmem>> -> memref<128xi32, #tpu.memory_space<vmem>>
      %dma_start3A_116 = tpu.memref_slice %arg3[%add3A_12] : memref<16384xi32, #tpu.memory_space<hbm>> -> memref<128xi32, #tpu.memory_space<hbm>>
      %dma_start3A_117 = arith.constant 0 : i32
      %dma_start3A_118 = tpu.memref_slice %arg7[%run_scoped3A_13, %dma_start3A_117] : memref<4x128xi32, #tpu.memory_space<vmem>> -> memref<1x128xi32, #tpu.memory_space<vmem>>
      %dma_start3A_119 = tpu.memref_squeeze %dma_start3A_118 : memref<1x128xi32, #tpu.memory_space<vmem>> -> memref<128xi32, #tpu.memory_space<vmem>>
      %dma_start3A_120 = tpu.memref_slice %arg3[%add3A_12] : memref<16384xi32, #tpu.memory_space<hbm>> -> memref<128xi32, #tpu.memory_space<hbm>>
      tpu.enqueue_dma source(%dma_start3A_120 : memref<128xi32, #tpu.memory_space<hbm>>) target(%dma_start3A_119 : memref<128xi32, #tpu.memory_space<vmem>>) target_semaphore(%run_scoped3A_112 : memref<!tpu.dma_semaphore, #tpu.memory_space<semaphore_mem>>)
      %dma_wait3A_121 = arith.constant 0 : i32
      %dma_wait3A_122 = tpu.memref_slice %arg7[%run_scoped3A_13, %dma_wait3A_121] : memref<4x128xi32, #tpu.memory_space<vmem>> -> memref<1x128xi32, #tpu.memory_space<vmem>>
      %dma_wait3A_123 = tpu.memref_squeeze %dma_wait3A_122 : memref<1x128xi32, #tpu.memory_space<vmem>> -> memref<128xi32, #tpu.memory_space<vmem>>
      %dma_wait3A_124 = tpu.memref_slice %arg3[%add3A_12] : memref<16384xi32, #tpu.memory_space<hbm>> -> memref<128xi32, #tpu.memory_space<hbm>>
      %dma_wait3A_125 = arith.constant 0 : i32
      %dma_wait3A_126 = tpu.memref_slice %arg7[%run_scoped3A_13, %dma_wait3A_125] : memref<4x128xi32, #tpu.memory_space<vmem>> -> memref<1x128xi32, #tpu.memory_space<vmem>>
      %dma_wait3A_127 = tpu.memref_squeeze %dma_wait3A_126 : memref<1x128xi32, #tpu.memory_space<vmem>> -> memref<128xi32, #tpu.memory_space<vmem>>
      %dma_wait3A_128 = tpu.memref_slice %arg3[%add3A_12] : memref<16384xi32, #tpu.memory_space<hbm>> -> memref<128xi32, #tpu.memory_space<hbm>>
      tpu.wait_dma2 semaphore(%run_scoped3A_112 : memref<!tpu.dma_semaphore, #tpu.memory_space<semaphore_mem>>) src(%dma_wait3A_128 : memref<128xi32, #tpu.memory_space<hbm>>) dst(%dma_wait3A_127 : memref<128xi32, #tpu.memory_space<vmem>>)
      tpu.yield
    }) : () -> ()
    %broadcast_in_dim3A = arith.constant 0.000000e+00 : f32
    %broadcast_in_dim3A_14 = vector.broadcast %broadcast_in_dim3A : f32 to vector<16xf32>
    %dma_start3A = arith.constant 0 : i32
    %dma_start3A_15 = arith.constant 0 : i32
    %dma_start3A_16 = tpu.memref_slice %arg7[%dma_start3A, %dma_start3A_15] : memref<4x128xi32, #tpu.memory_space<vmem>> -> memref<1x128xi32, #tpu.memory_space<vmem>>
    %dma_start3A_17 = tpu.memref_squeeze %dma_start3A_16 : memref<1x128xi32, #tpu.memory_space<vmem>> -> memref<128xi32, #tpu.memory_space<vmem>>
    %dma_start3A_18 = arith.constant 0 : i32
    %dma_start3A_19 = arith.constant 0 : i32
    %dma_start3A_20 = tpu.memref_slice %arg2[%dma_start3A_18, %dma_start3A_19] : memref<8192x128xf32, #tpu.memory_space<hbm>> -> memref<8192x128xf32, #tpu.memory_space<hbm>>
    tpu.enqueue_indirect_dma source(%dma_start3A_20 : memref<8192x128xf32, #tpu.memory_space<hbm>>) target(%arg8 : memref<128x128xf32, #tpu.memory_space<vmem>>) offsets(%dma_start3A_17 : memref<128xi32, #tpu.memory_space<vmem>>) semaphore(%arg12 : memref<!tpu.dma_semaphore, #tpu.memory_space<semaphore_mem>>)
    %add3A_21 = arith.constant 0 : i32
    %add3A_22 = arith.addi %mul3A_2, %add3A_21 : i32
    "tpu.region"() ({
      %run_scoped3A_112 = tpu.sem_alloc : memref<!tpu.dma_semaphore, #tpu.memory_space<semaphore_mem>>
      %dma_start3A_113 = arith.constant 0 : i32
      %dma_start3A_114 = tpu.memref_slice %arg4[%add3A_22, %dma_start3A_113] : memref<16384x32xf32, #tpu.memory_space<hbm>> -> memref<128x32xf32, #tpu.memory_space<hbm>>
      %dma_start3A_115 = arith.constant 0 : i32
      %dma_start3A_116 = tpu.memref_slice %arg4[%add3A_22, %dma_start3A_115] : memref<16384x32xf32, #tpu.memory_space<hbm>> -> memref<128x32xf32, #tpu.memory_space<hbm>>
      tpu.enqueue_dma source(%dma_start3A_116 : memref<128x32xf32, #tpu.memory_space<hbm>>) target(%arg9 : memref<128x32xf32, #tpu.memory_space<vmem>>) target_semaphore(%run_scoped3A_112 : memref<!tpu.dma_semaphore, #tpu.memory_space<semaphore_mem>>)
      %dma_wait3A_117 = arith.constant 0 : i32
      %dma_wait3A_118 = tpu.memref_slice %arg4[%add3A_22, %dma_wait3A_117] : memref<16384x32xf32, #tpu.memory_space<hbm>> -> memref<128x32xf32, #tpu.memory_space<hbm>>
      %dma_wait3A_119 = arith.constant 0 : i32
      %dma_wait3A_120 = tpu.memref_slice %arg4[%add3A_22, %dma_wait3A_119] : memref<16384x32xf32, #tpu.memory_space<hbm>> -> memref<128x32xf32, #tpu.memory_space<hbm>>
      tpu.wait_dma2 semaphore(%run_scoped3A_112 : memref<!tpu.dma_semaphore, #tpu.memory_space<semaphore_mem>>) src(%dma_wait3A_120 : memref<128x32xf32, #tpu.memory_space<hbm>>) dst(%arg9 : memref<128x32xf32, #tpu.memory_space<vmem>>)
      tpu.yield
    }) : () -> ()
    %dma_wait3A = arith.constant 0 : i32
    %dma_wait3A_23 = arith.constant 0 : i32
    %dma_wait3A_24 = tpu.memref_slice %arg7[%dma_wait3A, %dma_wait3A_23] : memref<4x128xi32, #tpu.memory_space<vmem>> -> memref<1x128xi32, #tpu.memory_space<vmem>>
    %dma_wait3A_25 = tpu.memref_squeeze %dma_wait3A_24 : memref<1x128xi32, #tpu.memory_space<vmem>> -> memref<128xi32, #tpu.memory_space<vmem>>
    %dma_wait3A_26 = arith.constant 0 : i32
    %dma_wait3A_27 = arith.constant 0 : i32
    %dma_wait3A_28 = tpu.memref_slice %arg2[%dma_wait3A_26, %dma_wait3A_27] : memref<8192x128xf32, #tpu.memory_space<hbm>> -> memref<8192x128xf32, #tpu.memory_space<hbm>>
    tpu.wait_indirect_dma semaphore(%arg12 : memref<!tpu.dma_semaphore, #tpu.memory_space<semaphore_mem>>) src(%dma_wait3A_28 : memref<8192x128xf32, #tpu.memory_space<hbm>>) dst(%arg8 : memref<128x128xf32, #tpu.memory_space<vmem>>)
    %scan3A = arith.constant 0 : i32
    %scan3A_29 = arith.constant 128 : i32
    %scan3A_30 = arith.addi %scan3A, %scan3A_29 : i32
    %scan3A_31 = arith.constant 1 : i32
    %scan3A_32:2 = scf.for %scan3A_112 = %scan3A to %scan3A_30 step %scan3A_31 iter_args(%scan3A_113 = %broadcast_in_dim3A_14, %scan3A_114 = %broadcast_in_dim3A_14) -> (vector<16xf32>, vector<16xf32>)  : i32 {
      %get3A = arith.index_cast %scan3A_112 : i32 to index
      %get3A_115 = arith.constant 0 : index
      %get3A_116 = tpu.vector_load %arg8[%get3A, %get3A_115] {strides = array<i32>} : memref<128x128xf32, #tpu.memory_space<vmem>>, vector<1x16xf32>,
      %get3A_117 = vector.shape_cast %get3A_116 : vector<1x16xf32> to vector<16xf32>
      %get3A_118 = arith.index_cast %scan3A_112 : i32 to index
      %get3A_119 = arith.constant 0 : index
      %get3A_120 = tpu.vector_load %arg9[%get3A_118, %get3A_119] {strides = array<i32>} : memref<128x32xf32, #tpu.memory_space<vmem>>, vector<1x16xf32>,
      %get3A_121 = vector.shape_cast %get3A_120 : vector<1x16xf32> to vector<16xf32>
      %sub3A = arith.subf %get3A_117, %get3A_121 : vector<16xf32>
      %add3A_122 = arith.addf %get3A_121, %sub3A : vector<16xf32>
      %swap3A_123 = arith.index_cast %scan3A_112 : i32 to index
      %swap3A_124 = arith.constant 0 : index
      %swap3A_125 = tpu.vector_load %arg10[%swap3A_123, %swap3A_124] {strides = array<i32>} : memref<128x32xf32, #tpu.memory_space<vmem>>, vector<1x16xf32>,
      %swap3A_126 = vector.shape_cast %swap3A_125 : vector<1x16xf32> to vector<16xf32>
      %swap3A_127 = vector.shape_cast %add3A_122 : vector<16xf32> to vector<1x16xf32>
      tpu.vector_store %arg10[%swap3A_123, %swap3A_124], %swap3A_127 {strides = array<i32>} : memref<128x32xf32, #tpu.memory_space<vmem>>, vector<1x16xf32>,
      %get3A_128 = arith.index_cast %scan3A_112 : i32 to index
      %get3A_129 = arith.constant 16 : index
      %get3A_130 = tpu.vector_load %arg8[%get3A_128, %get3A_129] {strides = array<i32>} : memref<128x128xf32, #tpu.memory_space<vmem>>, vector<1x16xf32>,
      %get3A_131 = vector.shape_cast %get3A_130 : vector<1x16xf32> to vector<16xf32>
      %get3A_132 = arith.index_cast %scan3A_112 : i32 to index
      %get3A_133 = arith.constant 16 : index
      %get3A_134 = tpu.vector_load %arg9[%get3A_132, %get3A_133] {strides = array<i32>} : memref<128x32xf32, #tpu.memory_space<vmem>>, vector<1x16xf32>,
      %get3A_135 = vector.shape_cast %get3A_134 : vector<1x16xf32> to vector<16xf32>
      %sub3A_136 = arith.subf %get3A_131, %get3A_135 : vector<16xf32>
      %add3A_137 = arith.addf %get3A_135, %sub3A_136 : vector<16xf32>
      %swap3A_138 = arith.index_cast %scan3A_112 : i32 to index
      %swap3A_139 = arith.constant 16 : index
      %swap3A_140 = tpu.vector_load %arg10[%swap3A_138, %swap3A_139] {strides = array<i32>} : memref<128x32xf32, #tpu.memory_space<vmem>>, vector<1x16xf32>,
      %swap3A_141 = vector.shape_cast %swap3A_140 : vector<1x16xf32> to vector<16xf32>
      %swap3A_142 = vector.shape_cast %add3A_137 : vector<16xf32> to vector<1x16xf32>
      tpu.vector_store %arg10[%swap3A_138, %swap3A_139], %swap3A_142 {strides = array<i32>} : memref<128x32xf32, #tpu.memory_space<vmem>>, vector<1x16xf32>,
      %mul3A_143 = arith.mulf %sub3A, %sub3A : vector<16xf32>
      %add3A_144 = arith.addf %scan3A_113, %mul3A_143 : vector<16xf32>
      %mul3A_145 = arith.mulf %sub3A_136, %sub3A_136 : vector<16xf32>
      %add3A_146 = arith.addf %scan3A_114, %mul3A_145 : vector<16xf32>
      scf.yield %add3A_144, %add3A_146 : vector<16xf32>, vector<16xf32>
    }
    %scan3A_33 = arith.constant 128 : i32
    %add3A_34 = arith.constant 0 : i32
    %add3A_35 = arith.addi %mul3A_2, %add3A_34 : i32
    "tpu.region"() ({
      %run_scoped3A_112 = tpu.sem_alloc : memref<!tpu.dma_semaphore, #tpu.memory_space<semaphore_mem>>
      %dma_start3A_113 = arith.constant 0 : i32
      %dma_start3A_114 = tpu.memref_slice %arg5[%add3A_35, %dma_start3A_113] : memref<16384x32xf32, #tpu.memory_space<hbm>> -> memref<128x32xf32, #tpu.memory_space<hbm>>
      %dma_start3A_115 = arith.constant 0 : i32
      %dma_start3A_116 = tpu.memref_slice %arg5[%add3A_35, %dma_start3A_115] : memref<16384x32xf32, #tpu.memory_space<hbm>> -> memref<128x32xf32, #tpu.memory_space<hbm>>
      tpu.enqueue_dma source(%arg10 : memref<128x32xf32, #tpu.memory_space<vmem>>) target(%dma_start3A_116 : memref<128x32xf32, #tpu.memory_space<hbm>>) target_semaphore(%run_scoped3A_112 : memref<!tpu.dma_semaphore, #tpu.memory_space<semaphore_mem>>)
      %dma_wait3A_117 = arith.constant 0 : i32
      %dma_wait3A_118 = tpu.memref_slice %arg5[%add3A_35, %dma_wait3A_117] : memref<16384x32xf32, #tpu.memory_space<hbm>> -> memref<128x32xf32, #tpu.memory_space<hbm>>
      %dma_wait3A_119 = arith.constant 0 : i32
      %dma_wait3A_120 = tpu.memref_slice %arg5[%add3A_35, %dma_wait3A_119] : memref<16384x32xf32, #tpu.memory_space<hbm>> -> memref<128x32xf32, #tpu.memory_space<hbm>>
      tpu.wait_dma2 semaphore(%run_scoped3A_112 : memref<!tpu.dma_semaphore, #tpu.memory_space<semaphore_mem>>) src(%arg10 : memref<128x32xf32, #tpu.memory_space<vmem>>) dst(%dma_wait3A_120 : memref<128x32xf32, #tpu.memory_space<hbm>>)
      tpu.yield
    }) : () -> ()
    %dma_start3A_36 = arith.constant 1 : i32
    %dma_start3A_37 = arith.constant 0 : i32
    %dma_start3A_38 = tpu.memref_slice %arg7[%dma_start3A_36, %dma_start3A_37] : memref<4x128xi32, #tpu.memory_space<vmem>> -> memref<1x128xi32, #tpu.memory_space<vmem>>
    %dma_start3A_39 = tpu.memref_squeeze %dma_start3A_38 : memref<1x128xi32, #tpu.memory_space<vmem>> -> memref<128xi32, #tpu.memory_space<vmem>>
    %dma_start3A_40 = arith.constant 0 : i32
    %dma_start3A_41 = arith.constant 0 : i32
    %dma_start3A_42 = tpu.memref_slice %arg2[%dma_start3A_40, %dma_start3A_41] : memref<8192x128xf32, #tpu.memory_space<hbm>> -> memref<8192x128xf32, #tpu.memory_space<hbm>>
    tpu.enqueue_indirect_dma source(%dma_start3A_42 : memref<8192x128xf32, #tpu.memory_space<hbm>>) target(%arg8 : memref<128x128xf32, #tpu.memory_space<vmem>>) offsets(%dma_start3A_39 : memref<128xi32, #tpu.memory_space<vmem>>) semaphore(%arg12 : memref<!tpu.dma_semaphore, #tpu.memory_space<semaphore_mem>>)
    %add3A_43 = arith.constant 128 : i32
    %add3A_44 = arith.addi %mul3A_2, %add3A_43 : i32
    "tpu.region"() ({
      %run_scoped3A_112 = tpu.sem_alloc : memref<!tpu.dma_semaphore, #tpu.memory_space<semaphore_mem>>
      %dma_start3A_113 = arith.constant 0 : i32
      %dma_start3A_114 = tpu.memref_slice %arg4[%add3A_44, %dma_start3A_113] : memref<16384x32xf32, #tpu.memory_space<hbm>> -> memref<128x32xf32, #tpu.memory_space<hbm>>
      %dma_start3A_115 = arith.constant 0 : i32
      %dma_start3A_116 = tpu.memref_slice %arg4[%add3A_44, %dma_start3A_115] : memref<16384x32xf32, #tpu.memory_space<hbm>> -> memref<128x32xf32, #tpu.memory_space<hbm>>
      tpu.enqueue_dma source(%dma_start3A_116 : memref<128x32xf32, #tpu.memory_space<hbm>>) target(%arg9 : memref<128x32xf32, #tpu.memory_space<vmem>>) target_semaphore(%run_scoped3A_112 : memref<!tpu.dma_semaphore, #tpu.memory_space<semaphore_mem>>)
      %dma_wait3A_117 = arith.constant 0 : i32
      %dma_wait3A_118 = tpu.memref_slice %arg4[%add3A_44, %dma_wait3A_117] : memref<16384x32xf32, #tpu.memory_space<hbm>> -> memref<128x32xf32, #tpu.memory_space<hbm>>
      %dma_wait3A_119 = arith.constant 0 : i32
      %dma_wait3A_120 = tpu.memref_slice %arg4[%add3A_44, %dma_wait3A_119] : memref<16384x32xf32, #tpu.memory_space<hbm>> -> memref<128x32xf32, #tpu.memory_space<hbm>>
      tpu.wait_dma2 semaphore(%run_scoped3A_112 : memref<!tpu.dma_semaphore, #tpu.memory_space<semaphore_mem>>) src(%dma_wait3A_120 : memref<128x32xf32, #tpu.memory_space<hbm>>) dst(%arg9 : memref<128x32xf32, #tpu.memory_space<vmem>>)
      tpu.yield
    }) : () -> ()
    %dma_wait3A_45 = arith.constant 1 : i32
    %dma_wait3A_46 = arith.constant 0 : i32
    %dma_wait3A_47 = tpu.memref_slice %arg7[%dma_wait3A_45, %dma_wait3A_46] : memref<4x128xi32, #tpu.memory_space<vmem>> -> memref<1x128xi32, #tpu.memory_space<vmem>>
    %dma_wait3A_48 = tpu.memref_squeeze %dma_wait3A_47 : memref<1x128xi32, #tpu.memory_space<vmem>> -> memref<128xi32, #tpu.memory_space<vmem>>
    %dma_wait3A_49 = arith.constant 0 : i32
    %dma_wait3A_50 = arith.constant 0 : i32
    %dma_wait3A_51 = tpu.memref_slice %arg2[%dma_wait3A_49, %dma_wait3A_50] : memref<8192x128xf32, #tpu.memory_space<hbm>> -> memref<8192x128xf32, #tpu.memory_space<hbm>>
    tpu.wait_indirect_dma semaphore(%arg12 : memref<!tpu.dma_semaphore, #tpu.memory_space<semaphore_mem>>) src(%dma_wait3A_51 : memref<8192x128xf32, #tpu.memory_space<hbm>>) dst(%arg8 : memref<128x128xf32, #tpu.memory_space<vmem>>)
    %scan3A_52 = arith.constant 0 : i32
    %scan3A_53 = arith.constant 128 : i32
    %scan3A_54 = arith.addi %scan3A_52, %scan3A_53 : i32
    %scan3A_55 = arith.constant 1 : i32
    %scan3A_56:2 = scf.for %scan3A_112 = %scan3A_52 to %scan3A_54 step %scan3A_55 iter_args(%scan3A_113 = %scan3A_32#0, %scan3A_114 = %scan3A_32#1) -> (vector<16xf32>, vector<16xf32>)  : i32 {
      %get3A = arith.index_cast %scan3A_112 : i32 to index
      %get3A_115 = arith.constant 0 : index
      %get3A_116 = tpu.vector_load %arg8[%get3A, %get3A_115] {strides = array<i32>} : memref<128x128xf32, #tpu.memory_space<vmem>>, vector<1x16xf32>,
      %get3A_117 = vector.shape_cast %get3A_116 : vector<1x16xf32> to vector<16xf32>
      %get3A_118 = arith.index_cast %scan3A_112 : i32 to index
      %get3A_119 = arith.constant 0 : index
      %get3A_120 = tpu.vector_load %arg9[%get3A_118, %get3A_119] {strides = array<i32>} : memref<128x32xf32, #tpu.memory_space<vmem>>, vector<1x16xf32>,
      %get3A_121 = vector.shape_cast %get3A_120 : vector<1x16xf32> to vector<16xf32>
      %sub3A = arith.subf %get3A_117, %get3A_121 : vector<16xf32>
      %add3A_122 = arith.addf %get3A_121, %sub3A : vector<16xf32>
      %swap3A_123 = arith.index_cast %scan3A_112 : i32 to index
      %swap3A_124 = arith.constant 0 : index
      %swap3A_125 = tpu.vector_load %arg10[%swap3A_123, %swap3A_124] {strides = array<i32>} : memref<128x32xf32, #tpu.memory_space<vmem>>, vector<1x16xf32>,
      %swap3A_126 = vector.shape_cast %swap3A_125 : vector<1x16xf32> to vector<16xf32>
      %swap3A_127 = vector.shape_cast %add3A_122 : vector<16xf32> to vector<1x16xf32>
      tpu.vector_store %arg10[%swap3A_123, %swap3A_124], %swap3A_127 {strides = array<i32>} : memref<128x32xf32, #tpu.memory_space<vmem>>, vector<1x16xf32>,
      %get3A_128 = arith.index_cast %scan3A_112 : i32 to index
      %get3A_129 = arith.constant 16 : index
      %get3A_130 = tpu.vector_load %arg8[%get3A_128, %get3A_129] {strides = array<i32>} : memref<128x128xf32, #tpu.memory_space<vmem>>, vector<1x16xf32>,
      %get3A_131 = vector.shape_cast %get3A_130 : vector<1x16xf32> to vector<16xf32>
      %get3A_132 = arith.index_cast %scan3A_112 : i32 to index
      %get3A_133 = arith.constant 16 : index
      %get3A_134 = tpu.vector_load %arg9[%get3A_132, %get3A_133] {strides = array<i32>} : memref<128x32xf32, #tpu.memory_space<vmem>>, vector<1x16xf32>,
      %get3A_135 = vector.shape_cast %get3A_134 : vector<1x16xf32> to vector<16xf32>
      %sub3A_136 = arith.subf %get3A_131, %get3A_135 : vector<16xf32>
      %add3A_137 = arith.addf %get3A_135, %sub3A_136 : vector<16xf32>
      %swap3A_138 = arith.index_cast %scan3A_112 : i32 to index
      %swap3A_139 = arith.constant 16 : index
      %swap3A_140 = tpu.vector_load %arg10[%swap3A_138, %swap3A_139] {strides = array<i32>} : memref<128x32xf32, #tpu.memory_space<vmem>>, vector<1x16xf32>,
      %swap3A_141 = vector.shape_cast %swap3A_140 : vector<1x16xf32> to vector<16xf32>
      %swap3A_142 = vector.shape_cast %add3A_137 : vector<16xf32> to vector<1x16xf32>
      tpu.vector_store %arg10[%swap3A_138, %swap3A_139], %swap3A_142 {strides = array<i32>} : memref<128x32xf32, #tpu.memory_space<vmem>>, vector<1x16xf32>,
      %mul3A_143 = arith.mulf %sub3A, %sub3A : vector<16xf32>
      %add3A_144 = arith.addf %scan3A_113, %mul3A_143 : vector<16xf32>
      %mul3A_145 = arith.mulf %sub3A_136, %sub3A_136 : vector<16xf32>
      %add3A_146 = arith.addf %scan3A_114, %mul3A_145 : vector<16xf32>
      scf.yield %add3A_144, %add3A_146 : vector<16xf32>, vector<16xf32>
    }
    %scan3A_57 = arith.constant 128 : i32
    %add3A_58 = arith.constant 128 : i32
    %add3A_59 = arith.addi %mul3A_2, %add3A_58 : i32
    "tpu.region"() ({
      %run_scoped3A_112 = tpu.sem_alloc : memref<!tpu.dma_semaphore, #tpu.memory_space<semaphore_mem>>
      %dma_start3A_113 = arith.constant 0 : i32
      %dma_start3A_114 = tpu.memref_slice %arg5[%add3A_59, %dma_start3A_113] : memref<16384x32xf32, #tpu.memory_space<hbm>> -> memref<128x32xf32, #tpu.memory_space<hbm>>
      %dma_start3A_115 = arith.constant 0 : i32
      %dma_start3A_116 = tpu.memref_slice %arg5[%add3A_59, %dma_start3A_115] : memref<16384x32xf32, #tpu.memory_space<hbm>> -> memref<128x32xf32, #tpu.memory_space<hbm>>
      tpu.enqueue_dma source(%arg10 : memref<128x32xf32, #tpu.memory_space<vmem>>) target(%dma_start3A_116 : memref<128x32xf32, #tpu.memory_space<hbm>>) target_semaphore(%run_scoped3A_112 : memref<!tpu.dma_semaphore, #tpu.memory_space<semaphore_mem>>)
      %dma_wait3A_117 = arith.constant 0 : i32
      %dma_wait3A_118 = tpu.memref_slice %arg5[%add3A_59, %dma_wait3A_117] : memref<16384x32xf32, #tpu.memory_space<hbm>> -> memref<128x32xf32, #tpu.memory_space<hbm>>
      %dma_wait3A_119 = arith.constant 0 : i32
      %dma_wait3A_120 = tpu.memref_slice %arg5[%add3A_59, %dma_wait3A_119] : memref<16384x32xf32, #tpu.memory_space<hbm>> -> memref<128x32xf32, #tpu.memory_space<hbm>>
      tpu.wait_dma2 semaphore(%run_scoped3A_112 : memref<!tpu.dma_semaphore, #tpu.memory_space<semaphore_mem>>) src(%arg10 : memref<128x32xf32, #tpu.memory_space<vmem>>) dst(%dma_wait3A_120 : memref<128x32xf32, #tpu.memory_space<hbm>>)
      tpu.yield
    }) : () -> ()
    %dma_start3A_60 = arith.constant 2 : i32
    %dma_start3A_61 = arith.constant 0 : i32
    %dma_start3A_62 = tpu.memref_slice %arg7[%dma_start3A_60, %dma_start3A_61] : memref<4x128xi32, #tpu.memory_space<vmem>> -> memref<1x128xi32, #tpu.memory_space<vmem>>
    %dma_start3A_63 = tpu.memref_squeeze %dma_start3A_62 : memref<1x128xi32, #tpu.memory_space<vmem>> -> memref<128xi32, #tpu.memory_space<vmem>>
    %dma_start3A_64 = arith.constant 0 : i32
    %dma_start3A_65 = arith.constant 0 : i32
    %dma_start3A_66 = tpu.memref_slice %arg2[%dma_start3A_64, %dma_start3A_65] : memref<8192x128xf32, #tpu.memory_space<hbm>> -> memref<8192x128xf32, #tpu.memory_space<hbm>>
    tpu.enqueue_indirect_dma source(%dma_start3A_66 : memref<8192x128xf32, #tpu.memory_space<hbm>>) target(%arg8 : memref<128x128xf32, #tpu.memory_space<vmem>>) offsets(%dma_start3A_63 : memref<128xi32, #tpu.memory_space<vmem>>) semaphore(%arg12 : memref<!tpu.dma_semaphore, #tpu.memory_space<semaphore_mem>>)
    %add3A_67 = arith.constant 256 : i32
    %add3A_68 = arith.addi %mul3A_2, %add3A_67 : i32
    "tpu.region"() ({
      %run_scoped3A_112 = tpu.sem_alloc : memref<!tpu.dma_semaphore, #tpu.memory_space<semaphore_mem>>
      %dma_start3A_113 = arith.constant 0 : i32
      %dma_start3A_114 = tpu.memref_slice %arg4[%add3A_68, %dma_start3A_113] : memref<16384x32xf32, #tpu.memory_space<hbm>> -> memref<128x32xf32, #tpu.memory_space<hbm>>
      %dma_start3A_115 = arith.constant 0 : i32
      %dma_start3A_116 = tpu.memref_slice %arg4[%add3A_68, %dma_start3A_115] : memref<16384x32xf32, #tpu.memory_space<hbm>> -> memref<128x32xf32, #tpu.memory_space<hbm>>
      tpu.enqueue_dma source(%dma_start3A_116 : memref<128x32xf32, #tpu.memory_space<hbm>>) target(%arg9 : memref<128x32xf32, #tpu.memory_space<vmem>>) target_semaphore(%run_scoped3A_112 : memref<!tpu.dma_semaphore, #tpu.memory_space<semaphore_mem>>)
      %dma_wait3A_117 = arith.constant 0 : i32
      %dma_wait3A_118 = tpu.memref_slice %arg4[%add3A_68, %dma_wait3A_117] : memref<16384x32xf32, #tpu.memory_space<hbm>> -> memref<128x32xf32, #tpu.memory_space<hbm>>
      %dma_wait3A_119 = arith.constant 0 : i32
      %dma_wait3A_120 = tpu.memref_slice %arg4[%add3A_68, %dma_wait3A_119] : memref<16384x32xf32, #tpu.memory_space<hbm>> -> memref<128x32xf32, #tpu.memory_space<hbm>>
      tpu.wait_dma2 semaphore(%run_scoped3A_112 : memref<!tpu.dma_semaphore, #tpu.memory_space<semaphore_mem>>) src(%dma_wait3A_120 : memref<128x32xf32, #tpu.memory_space<hbm>>) dst(%arg9 : memref<128x32xf32, #tpu.memory_space<vmem>>)
      tpu.yield
    }) : () -> ()
    %dma_wait3A_69 = arith.constant 2 : i32
    %dma_wait3A_70 = arith.constant 0 : i32
    %dma_wait3A_71 = tpu.memref_slice %arg7[%dma_wait3A_69, %dma_wait3A_70] : memref<4x128xi32, #tpu.memory_space<vmem>> -> memref<1x128xi32, #tpu.memory_space<vmem>>
    %dma_wait3A_72 = tpu.memref_squeeze %dma_wait3A_71 : memref<1x128xi32, #tpu.memory_space<vmem>> -> memref<128xi32, #tpu.memory_space<vmem>>
    %dma_wait3A_73 = arith.constant 0 : i32
    %dma_wait3A_74 = arith.constant 0 : i32
    %dma_wait3A_75 = tpu.memref_slice %arg2[%dma_wait3A_73, %dma_wait3A_74] : memref<8192x128xf32, #tpu.memory_space<hbm>> -> memref<8192x128xf32, #tpu.memory_space<hbm>>
    tpu.wait_indirect_dma semaphore(%arg12 : memref<!tpu.dma_semaphore, #tpu.memory_space<semaphore_mem>>) src(%dma_wait3A_75 : memref<8192x128xf32, #tpu.memory_space<hbm>>) dst(%arg8 : memref<128x128xf32, #tpu.memory_space<vmem>>)
    %scan3A_76 = arith.constant 0 : i32
    %scan3A_77 = arith.constant 128 : i32
    %scan3A_78 = arith.addi %scan3A_76, %scan3A_77 : i32
    %scan3A_79 = arith.constant 1 : i32
    %scan3A_80:2 = scf.for %scan3A_112 = %scan3A_76 to %scan3A_78 step %scan3A_79 iter_args(%scan3A_113 = %scan3A_56#0, %scan3A_114 = %scan3A_56#1) -> (vector<16xf32>, vector<16xf32>)  : i32 {
      %get3A = arith.index_cast %scan3A_112 : i32 to index
      %get3A_115 = arith.constant 0 : index
      %get3A_116 = tpu.vector_load %arg8[%get3A, %get3A_115] {strides = array<i32>} : memref<128x128xf32, #tpu.memory_space<vmem>>, vector<1x16xf32>,
      %get3A_117 = vector.shape_cast %get3A_116 : vector<1x16xf32> to vector<16xf32>
      %get3A_118 = arith.index_cast %scan3A_112 : i32 to index
      %get3A_119 = arith.constant 0 : index
      %get3A_120 = tpu.vector_load %arg9[%get3A_118, %get3A_119] {strides = array<i32>} : memref<128x32xf32, #tpu.memory_space<vmem>>, vector<1x16xf32>,
      %get3A_121 = vector.shape_cast %get3A_120 : vector<1x16xf32> to vector<16xf32>
      %sub3A = arith.subf %get3A_117, %get3A_121 : vector<16xf32>
      %add3A_122 = arith.addf %get3A_121, %sub3A : vector<16xf32>
      %swap3A_123 = arith.index_cast %scan3A_112 : i32 to index
      %swap3A_124 = arith.constant 0 : index
      %swap3A_125 = tpu.vector_load %arg10[%swap3A_123, %swap3A_124] {strides = array<i32>} : memref<128x32xf32, #tpu.memory_space<vmem>>, vector<1x16xf32>,
      %swap3A_126 = vector.shape_cast %swap3A_125 : vector<1x16xf32> to vector<16xf32>
      %swap3A_127 = vector.shape_cast %add3A_122 : vector<16xf32> to vector<1x16xf32>
      tpu.vector_store %arg10[%swap3A_123, %swap3A_124], %swap3A_127 {strides = array<i32>} : memref<128x32xf32, #tpu.memory_space<vmem>>, vector<1x16xf32>,
      %get3A_128 = arith.index_cast %scan3A_112 : i32 to index
      %get3A_129 = arith.constant 16 : index
      %get3A_130 = tpu.vector_load %arg8[%get3A_128, %get3A_129] {strides = array<i32>} : memref<128x128xf32, #tpu.memory_space<vmem>>, vector<1x16xf32>,
      %get3A_131 = vector.shape_cast %get3A_130 : vector<1x16xf32> to vector<16xf32>
      %get3A_132 = arith.index_cast %scan3A_112 : i32 to index
      %get3A_133 = arith.constant 16 : index
      %get3A_134 = tpu.vector_load %arg9[%get3A_132, %get3A_133] {strides = array<i32>} : memref<128x32xf32, #tpu.memory_space<vmem>>, vector<1x16xf32>,
      %get3A_135 = vector.shape_cast %get3A_134 : vector<1x16xf32> to vector<16xf32>
      %sub3A_136 = arith.subf %get3A_131, %get3A_135 : vector<16xf32>
      %add3A_137 = arith.addf %get3A_135, %sub3A_136 : vector<16xf32>
      %swap3A_138 = arith.index_cast %scan3A_112 : i32 to index
      %swap3A_139 = arith.constant 16 : index
      %swap3A_140 = tpu.vector_load %arg10[%swap3A_138, %swap3A_139] {strides = array<i32>} : memref<128x32xf32, #tpu.memory_space<vmem>>, vector<1x16xf32>,
      %swap3A_141 = vector.shape_cast %swap3A_140 : vector<1x16xf32> to vector<16xf32>
      %swap3A_142 = vector.shape_cast %add3A_137 : vector<16xf32> to vector<1x16xf32>
      tpu.vector_store %arg10[%swap3A_138, %swap3A_139], %swap3A_142 {strides = array<i32>} : memref<128x32xf32, #tpu.memory_space<vmem>>, vector<1x16xf32>,
      %mul3A_143 = arith.mulf %sub3A, %sub3A : vector<16xf32>
      %add3A_144 = arith.addf %scan3A_113, %mul3A_143 : vector<16xf32>
      %mul3A_145 = arith.mulf %sub3A_136, %sub3A_136 : vector<16xf32>
      %add3A_146 = arith.addf %scan3A_114, %mul3A_145 : vector<16xf32>
      scf.yield %add3A_144, %add3A_146 : vector<16xf32>, vector<16xf32>
    }
    %scan3A_81 = arith.constant 128 : i32
    %add3A_82 = arith.constant 256 : i32
    %add3A_83 = arith.addi %mul3A_2, %add3A_82 : i32
    "tpu.region"() ({
      %run_scoped3A_112 = tpu.sem_alloc : memref<!tpu.dma_semaphore, #tpu.memory_space<semaphore_mem>>
      %dma_start3A_113 = arith.constant 0 : i32
      %dma_start3A_114 = tpu.memref_slice %arg5[%add3A_83, %dma_start3A_113] : memref<16384x32xf32, #tpu.memory_space<hbm>> -> memref<128x32xf32, #tpu.memory_space<hbm>>
      %dma_start3A_115 = arith.constant 0 : i32
      %dma_start3A_116 = tpu.memref_slice %arg5[%add3A_83, %dma_start3A_115] : memref<16384x32xf32, #tpu.memory_space<hbm>> -> memref<128x32xf32, #tpu.memory_space<hbm>>
      tpu.enqueue_dma source(%arg10 : memref<128x32xf32, #tpu.memory_space<vmem>>) target(%dma_start3A_116 : memref<128x32xf32, #tpu.memory_space<hbm>>) target_semaphore(%run_scoped3A_112 : memref<!tpu.dma_semaphore, #tpu.memory_space<semaphore_mem>>)
      %dma_wait3A_117 = arith.constant 0 : i32
      %dma_wait3A_118 = tpu.memref_slice %arg5[%add3A_83, %dma_wait3A_117] : memref<16384x32xf32, #tpu.memory_space<hbm>> -> memref<128x32xf32, #tpu.memory_space<hbm>>
      %dma_wait3A_119 = arith.constant 0 : i32
      %dma_wait3A_120 = tpu.memref_slice %arg5[%add3A_83, %dma_wait3A_119] : memref<16384x32xf32, #tpu.memory_space<hbm>> -> memref<128x32xf32, #tpu.memory_space<hbm>>
      tpu.wait_dma2 semaphore(%run_scoped3A_112 : memref<!tpu.dma_semaphore, #tpu.memory_space<semaphore_mem>>) src(%arg10 : memref<128x32xf32, #tpu.memory_space<vmem>>) dst(%dma_wait3A_120 : memref<128x32xf32, #tpu.memory_space<hbm>>)
      tpu.yield
    }) : () -> ()
    %dma_start3A_84 = arith.constant 3 : i32
    %dma_start3A_85 = arith.constant 0 : i32
    %dma_start3A_86 = tpu.memref_slice %arg7[%dma_start3A_84, %dma_start3A_85] : memref<4x128xi32, #tpu.memory_space<vmem>> -> memref<1x128xi32, #tpu.memory_space<vmem>>
    %dma_start3A_87 = tpu.memref_squeeze %dma_start3A_86 : memref<1x128xi32, #tpu.memory_space<vmem>> -> memref<128xi32, #tpu.memory_space<vmem>>
    %dma_start3A_88 = arith.constant 0 : i32
    %dma_start3A_89 = arith.constant 0 : i32
    %dma_start3A_90 = tpu.memref_slice %arg2[%dma_start3A_88, %dma_start3A_89] : memref<8192x128xf32, #tpu.memory_space<hbm>> -> memref<8192x128xf32, #tpu.memory_space<hbm>>
    tpu.enqueue_indirect_dma source(%dma_start3A_90 : memref<8192x128xf32, #tpu.memory_space<hbm>>) target(%arg8 : memref<128x128xf32, #tpu.memory_space<vmem>>) offsets(%dma_start3A_87 : memref<128xi32, #tpu.memory_space<vmem>>) semaphore(%arg12 : memref<!tpu.dma_semaphore, #tpu.memory_space<semaphore_mem>>)
    %add3A_91 = arith.constant 384 : i32
    %add3A_92 = arith.addi %mul3A_2, %add3A_91 : i32
    "tpu.region"() ({
      %run_scoped3A_112 = tpu.sem_alloc : memref<!tpu.dma_semaphore, #tpu.memory_space<semaphore_mem>>
      %dma_start3A_113 = arith.constant 0 : i32
      %dma_start3A_114 = tpu.memref_slice %arg4[%add3A_92, %dma_start3A_113] : memref<16384x32xf32, #tpu.memory_space<hbm>> -> memref<128x32xf32, #tpu.memory_space<hbm>>
      %dma_start3A_115 = arith.constant 0 : i32
      %dma_start3A_116 = tpu.memref_slice %arg4[%add3A_92, %dma_start3A_115] : memref<16384x32xf32, #tpu.memory_space<hbm>> -> memref<128x32xf32, #tpu.memory_space<hbm>>
      tpu.enqueue_dma source(%dma_start3A_116 : memref<128x32xf32, #tpu.memory_space<hbm>>) target(%arg9 : memref<128x32xf32, #tpu.memory_space<vmem>>) target_semaphore(%run_scoped3A_112 : memref<!tpu.dma_semaphore, #tpu.memory_space<semaphore_mem>>)
      %dma_wait3A_117 = arith.constant 0 : i32
      %dma_wait3A_118 = tpu.memref_slice %arg4[%add3A_92, %dma_wait3A_117] : memref<16384x32xf32, #tpu.memory_space<hbm>> -> memref<128x32xf32, #tpu.memory_space<hbm>>
      %dma_wait3A_119 = arith.constant 0 : i32
      %dma_wait3A_120 = tpu.memref_slice %arg4[%add3A_92, %dma_wait3A_119] : memref<16384x32xf32, #tpu.memory_space<hbm>> -> memref<128x32xf32, #tpu.memory_space<hbm>>
      tpu.wait_dma2 semaphore(%run_scoped3A_112 : memref<!tpu.dma_semaphore, #tpu.memory_space<semaphore_mem>>) src(%dma_wait3A_120 : memref<128x32xf32, #tpu.memory_space<hbm>>) dst(%arg9 : memref<128x32xf32, #tpu.memory_space<vmem>>)
      tpu.yield
    }) : () -> ()
    %dma_wait3A_93 = arith.constant 3 : i32
    %dma_wait3A_94 = arith.constant 0 : i32
    %dma_wait3A_95 = tpu.memref_slice %arg7[%dma_wait3A_93, %dma_wait3A_94] : memref<4x128xi32, #tpu.memory_space<vmem>> -> memref<1x128xi32, #tpu.memory_space<vmem>>
    %dma_wait3A_96 = tpu.memref_squeeze %dma_wait3A_95 : memref<1x128xi32, #tpu.memory_space<vmem>> -> memref<128xi32, #tpu.memory_space<vmem>>
    %dma_wait3A_97 = arith.constant 0 : i32
    %dma_wait3A_98 = arith.constant 0 : i32
    %dma_wait3A_99 = tpu.memref_slice %arg2[%dma_wait3A_97, %dma_wait3A_98] : memref<8192x128xf32, #tpu.memory_space<hbm>> -> memref<8192x128xf32, #tpu.memory_space<hbm>>
    tpu.wait_indirect_dma semaphore(%arg12 : memref<!tpu.dma_semaphore, #tpu.memory_space<semaphore_mem>>) src(%dma_wait3A_99 : memref<8192x128xf32, #tpu.memory_space<hbm>>) dst(%arg8 : memref<128x128xf32, #tpu.memory_space<vmem>>)
    %scan3A_100 = arith.constant 0 : i32
    %scan3A_101 = arith.constant 128 : i32
    %scan3A_102 = arith.addi %scan3A_100, %scan3A_101 : i32
    %scan3A_103 = arith.constant 1 : i32
    %scan3A_104:2 = scf.for %scan3A_112 = %scan3A_100 to %scan3A_102 step %scan3A_103 iter_args(%scan3A_113 = %scan3A_80#0, %scan3A_114 = %scan3A_80#1) -> (vector<16xf32>, vector<16xf32>)  : i32 {
      %get3A = arith.index_cast %scan3A_112 : i32 to index
      %get3A_115 = arith.constant 0 : index
      %get3A_116 = tpu.vector_load %arg8[%get3A, %get3A_115] {strides = array<i32>} : memref<128x128xf32, #tpu.memory_space<vmem>>, vector<1x16xf32>,
      %get3A_117 = vector.shape_cast %get3A_116 : vector<1x16xf32> to vector<16xf32>
      %get3A_118 = arith.index_cast %scan3A_112 : i32 to index
      %get3A_119 = arith.constant 0 : index
      %get3A_120 = tpu.vector_load %arg9[%get3A_118, %get3A_119] {strides = array<i32>} : memref<128x32xf32, #tpu.memory_space<vmem>>, vector<1x16xf32>,
      %get3A_121 = vector.shape_cast %get3A_120 : vector<1x16xf32> to vector<16xf32>
      %sub3A = arith.subf %get3A_117, %get3A_121 : vector<16xf32>
      %add3A_122 = arith.addf %get3A_121, %sub3A : vector<16xf32>
      %swap3A_123 = arith.index_cast %scan3A_112 : i32 to index
      %swap3A_124 = arith.constant 0 : index
      %swap3A_125 = tpu.vector_load %arg10[%swap3A_123, %swap3A_124] {strides = array<i32>} : memref<128x32xf32, #tpu.memory_space<vmem>>, vector<1x16xf32>,
      %swap3A_126 = vector.shape_cast %swap3A_125 : vector<1x16xf32> to vector<16xf32>
      %swap3A_127 = vector.shape_cast %add3A_122 : vector<16xf32> to vector<1x16xf32>
      tpu.vector_store %arg10[%swap3A_123, %swap3A_124], %swap3A_127 {strides = array<i32>} : memref<128x32xf32, #tpu.memory_space<vmem>>, vector<1x16xf32>,
      %get3A_128 = arith.index_cast %scan3A_112 : i32 to index
      %get3A_129 = arith.constant 16 : index
      %get3A_130 = tpu.vector_load %arg8[%get3A_128, %get3A_129] {strides = array<i32>} : memref<128x128xf32, #tpu.memory_space<vmem>>, vector<1x16xf32>,
      %get3A_131 = vector.shape_cast %get3A_130 : vector<1x16xf32> to vector<16xf32>
      %get3A_132 = arith.index_cast %scan3A_112 : i32 to index
      %get3A_133 = arith.constant 16 : index
      %get3A_134 = tpu.vector_load %arg9[%get3A_132, %get3A_133] {strides = array<i32>} : memref<128x32xf32, #tpu.memory_space<vmem>>, vector<1x16xf32>,
      %get3A_135 = vector.shape_cast %get3A_134 : vector<1x16xf32> to vector<16xf32>
      %sub3A_136 = arith.subf %get3A_131, %get3A_135 : vector<16xf32>
      %add3A_137 = arith.addf %get3A_135, %sub3A_136 : vector<16xf32>
      %swap3A_138 = arith.index_cast %scan3A_112 : i32 to index
      %swap3A_139 = arith.constant 16 : index
      %swap3A_140 = tpu.vector_load %arg10[%swap3A_138, %swap3A_139] {strides = array<i32>} : memref<128x32xf32, #tpu.memory_space<vmem>>, vector<1x16xf32>,
      %swap3A_141 = vector.shape_cast %swap3A_140 : vector<1x16xf32> to vector<16xf32>
      %swap3A_142 = vector.shape_cast %add3A_137 : vector<16xf32> to vector<1x16xf32>
      tpu.vector_store %arg10[%swap3A_138, %swap3A_139], %swap3A_142 {strides = array<i32>} : memref<128x32xf32, #tpu.memory_space<vmem>>, vector<1x16xf32>,
      %mul3A_143 = arith.mulf %sub3A, %sub3A : vector<16xf32>
      %add3A_144 = arith.addf %scan3A_113, %mul3A_143 : vector<16xf32>
      %mul3A_145 = arith.mulf %sub3A_136, %sub3A_136 : vector<16xf32>
      %add3A_146 = arith.addf %scan3A_114, %mul3A_145 : vector<16xf32>
      scf.yield %add3A_144, %add3A_146 : vector<16xf32>, vector<16xf32>
    }
    %scan3A_105 = arith.constant 128 : i32
    %add3A_106 = arith.constant 384 : i32
    %add3A_107 = arith.addi %mul3A_2, %add3A_106 : i32
    "tpu.region"() ({
      %run_scoped3A_112 = tpu.sem_alloc : memref<!tpu.dma_semaphore, #tpu.memory_space<semaphore_mem>>
      %dma_start3A_113 = arith.constant 0 : i32
      %dma_start3A_114 = tpu.memref_slice %arg5[%add3A_107, %dma_start3A_113] : memref<16384x32xf32, #tpu.memory_space<hbm>> -> memref<128x32xf32, #tpu.memory_space<hbm>>
      %dma_start3A_115 = arith.constant 0 : i32
      %dma_start3A_116 = tpu.memref_slice %arg5[%add3A_107, %dma_start3A_115] : memref<16384x32xf32, #tpu.memory_space<hbm>> -> memref<128x32xf32, #tpu.memory_space<hbm>>
      tpu.enqueue_dma source(%arg10 : memref<128x32xf32, #tpu.memory_space<vmem>>) target(%dma_start3A_116 : memref<128x32xf32, #tpu.memory_space<hbm>>) target_semaphore(%run_scoped3A_112 : memref<!tpu.dma_semaphore, #tpu.memory_space<semaphore_mem>>)
      %dma_wait3A_117 = arith.constant 0 : i32
      %dma_wait3A_118 = tpu.memref_slice %arg5[%add3A_107, %dma_wait3A_117] : memref<16384x32xf32, #tpu.memory_space<hbm>> -> memref<128x32xf32, #tpu.memory_space<hbm>>
      %dma_wait3A_119 = arith.constant 0 : i32
      %dma_wait3A_120 = tpu.memref_slice %arg5[%add3A_107, %dma_wait3A_119] : memref<16384x32xf32, #tpu.memory_space<hbm>> -> memref<128x32xf32, #tpu.memory_space<hbm>>
      tpu.wait_dma2 semaphore(%run_scoped3A_112 : memref<!tpu.dma_semaphore, #tpu.memory_space<semaphore_mem>>) src(%arg10 : memref<128x32xf32, #tpu.memory_space<vmem>>) dst(%dma_wait3A_120 : memref<128x32xf32, #tpu.memory_space<hbm>>)
      tpu.yield
    }) : () -> ()
    %add3A_108 = arith.addf %scan3A_104#0, %scan3A_104#1 : vector<16xf32>
    %swap3A = arith.constant 0 : index
    %swap3A_109 = tpu.vector_load %arg11[%swap3A] {strides = array<i32>} : memref<16xf32, #tpu.memory_space<vmem>>, vector<16xf32>,
    %swap3A_110 = vector.shape_cast %swap3A_109 : vector<16xf32> to vector<16xf32>
    %swap3A_111 = vector.shape_cast %add3A_108 : vector<16xf32> to vector<16xf32>
    tpu.vector_store %arg11[%swap3A], %swap3A_111 {strides = array<i32>} : memref<16xf32, #tpu.memory_space<vmem>>, vector<16xf32>,
    "tpu.region"() ({
      %run_scoped3A_112 = tpu.sem_alloc : memref<!tpu.dma_semaphore, #tpu.memory_space<semaphore_mem>>
      %dma_start3A_113 = arith.constant 0 : i32
      %dma_start3A_114 = tpu.memref_slice %arg6[%add3A, %dma_start3A_113] : memref<32x16xf32, #tpu.memory_space<hbm>> -> memref<1x16xf32, #tpu.memory_space<hbm>>
      %dma_start3A_115 = tpu.memref_squeeze %dma_start3A_114 : memref<1x16xf32, #tpu.memory_space<hbm>> -> memref<16xf32, #tpu.memory_space<hbm>>
      %dma_start3A_116 = arith.constant 0 : i32
      %dma_start3A_117 = tpu.memref_slice %arg6[%add3A, %dma_start3A_116] : memref<32x16xf32, #tpu.memory_space<hbm>> -> memref<1x16xf32, #tpu.memory_space<hbm>>
      %dma_start3A_118 = tpu.memref_squeeze %dma_start3A_117 : memref<1x16xf32, #tpu.memory_space<hbm>> -> memref<16xf32, #tpu.memory_space<hbm>>
      tpu.enqueue_dma source(%arg11 : memref<16xf32, #tpu.memory_space<vmem>>) target(%dma_start3A_118 : memref<16xf32, #tpu.memory_space<hbm>>) target_semaphore(%run_scoped3A_112 : memref<!tpu.dma_semaphore, #tpu.memory_space<semaphore_mem>>)
      %dma_wait3A_119 = arith.constant 0 : i32
      %dma_wait3A_120 = tpu.memref_slice %arg6[%add3A, %dma_wait3A_119] : memref<32x16xf32, #tpu.memory_space<hbm>> -> memref<1x16xf32, #tpu.memory_space<hbm>>
      %dma_wait3A_121 = tpu.memref_squeeze %dma_wait3A_120 : memref<1x16xf32, #tpu.memory_space<hbm>> -> memref<16xf32, #tpu.memory_space<hbm>>
      %dma_wait3A_122 = arith.constant 0 : i32
      %dma_wait3A_123 = tpu.memref_slice %arg6[%add3A, %dma_wait3A_122] : memref<32x16xf32, #tpu.memory_space<hbm>> -> memref<1x16xf32, #tpu.memory_space<hbm>>
      %dma_wait3A_124 = tpu.memref_squeeze %dma_wait3A_123 : memref<1x16xf32, #tpu.memory_space<hbm>> -> memref<16xf32, #tpu.memory_space<hbm>>
      tpu.wait_dma2 semaphore(%run_scoped3A_112 : memref<!tpu.dma_semaphore, #tpu.memory_space<semaphore_mem>>) src(%arg11 : memref<16xf32, #tpu.memory_space<vmem>>) dst(%dma_wait3A_124 : memref<16xf32, #tpu.memory_space<hbm>>)
      tpu.yield
    }) : () -> ()
    return
  }
}

module attributes {stable_mosaic.version = 14 : i64} {
  func.func @_codes_body(%arg0: i32, %arg1: memref<2048x32xf32, #tpu.memory_space<vmem>>, %arg2: memref<32x8192xf32, #tpu.memory_space<vmem>>, %arg3: memref<2048x1xf32, #tpu.memory_space<vmem>>, %arg4: memref<1x8192xf32, #tpu.memory_space<vmem>>, %arg5: memref<2048xi32, #tpu.memory_space<vmem>>) attributes {dimension_semantics = [#tpu.dimension_semantics<arbitrary>], iteration_bounds = array<i64: 8>, scalar_prefetch = 0 : i64, scratch_operands = 0 : i64, tpu.core_type = #tpu.core_type<tc>, window_params = [{transform_indices = @transform_0, window_bounds = array<i64: 2048, 32>}, {pipeline_mode = #tpu.pipeline_mode<synchronous>, transform_indices = @transform_1, window_bounds = array<i64: 32, 8192>}, {transform_indices = @transform_2, window_bounds = array<i64: 2048, 1>}, {pipeline_mode = #tpu.pipeline_mode<synchronous>, transform_indices = @transform_3, window_bounds = array<i64: 1, 8192>}, {transform_indices = @transform_4, window_bounds = array<i64: 2048>}]} {
    %get3A = arith.constant 0 : index
    %get3A_0 = arith.constant 0 : index
    %get3A_1 = vector.load %arg1[%get3A, %get3A_0] : memref<2048x32xf32, #tpu.memory_space<vmem>>, vector<2048x32xf32>
    %get3A_2 = arith.constant 0 : index
    %get3A_3 = arith.constant 0 : index
    %get3A_4 = vector.load %arg2[%get3A_2, %get3A_3] : memref<32x8192xf32, #tpu.memory_space<vmem>>, vector<32x8192xf32>
    %get3A_5 = arith.constant 0 : index
    %get3A_6 = arith.constant 0 : index
    %get3A_7 = vector.load %arg3[%get3A_5, %get3A_6] : memref<2048x1xf32, #tpu.memory_space<vmem>>, vector<2048x1xf32>
    %get3A_8 = arith.constant 0 : index
    %get3A_9 = arith.constant 0 : index
    %get3A_10 = vector.load %arg4[%get3A_8, %get3A_9] : memref<1x8192xf32, #tpu.memory_space<vmem>>, vector<1x8192xf32>
    %slice3A = vector.extract_strided_slice %get3A_4 {offsets = [0, 0], sizes = [32, 512], strides = [1, 1]} : vector<32x8192xf32> to vector<32x512xf32>
    %dot_general3A = arith.constant dense<0.000000e+00> : vector<2048x512xf32>
    %dot_general3A_11 = tpu.matmul %get3A_1, %slice3A, %dot_general3A {dimension_numbers = #tpu.dot_dimension_numbers<[1], [0], [0], [1], [0, 0, 1, 1], [], []>, transpose_lhs_hint = false} : vector<2048x32xf32>, vector<32x512xf32>, vector<2048x512xf32> -> vector<2048x512xf32>
    %add3A = vector.broadcast %get3A_7 : vector<2048x1xf32> to vector<2048x512xf32>
    %add3A_12 = arith.addf %add3A, %dot_general3A_11 : vector<2048x512xf32>
    %slice3A_13 = vector.extract_strided_slice %get3A_10 {offsets = [0, 0], sizes = [1, 512], strides = [1, 1]} : vector<1x8192xf32> to vector<1x512xf32>
    %add3A_14 = vector.broadcast %slice3A_13 : vector<1x512xf32> to vector<2048x512xf32>
    %add3A_15 = arith.addf %add3A_12, %add3A_14 : vector<2048x512xf32>
    %slice3A_16 = vector.extract_strided_slice %add3A_15 {offsets = [0, 0], sizes = [2048, 128], strides = [1, 1]} : vector<2048x512xf32> to vector<2048x128xf32>
    %broadcast_in_dim3A = arith.constant 0 : i32
    %broadcast_in_dim3A_17 = vector.broadcast %broadcast_in_dim3A : i32 to vector<2048x128xi32>
    %slice3A_18 = vector.extract_strided_slice %add3A_15 {offsets = [0, 128], sizes = [2048, 128], strides = [1, 1]} : vector<2048x512xf32> to vector<2048x128xf32>
    %lt3A = arith.cmpf olt, %slice3A_18, %slice3A_16 : vector<2048x128xf32>
    %select_n3A = arith.select %lt3A, %slice3A_18, %slice3A_16 : vector<2048x128xi1>, vector<2048x128xf32>
    %jit3A = arith.constant 1 : i32
    %broadcast_in_dim3A_19 = vector.broadcast %jit3A : i32 to vector<2048x128xi32>
    %select_n3A_20 = arith.select %lt3A, %broadcast_in_dim3A_19, %broadcast_in_dim3A_17 : vector<2048x128xi1>, vector<2048x128xi32>
    %slice3A_21 = vector.extract_strided_slice %add3A_15 {offsets = [0, 256], sizes = [2048, 128], strides = [1, 1]} : vector<2048x512xf32> to vector<2048x128xf32>
    %lt3A_22 = arith.cmpf olt, %slice3A_21, %select_n3A : vector<2048x128xf32>
    %select_n3A_23 = arith.select %lt3A_22, %slice3A_21, %select_n3A : vector<2048x128xi1>, vector<2048x128xf32>
    %jit3A_24 = arith.constant 2 : i32
    %broadcast_in_dim3A_25 = vector.broadcast %jit3A_24 : i32 to vector<2048x128xi32>
    %select_n3A_26 = arith.select %lt3A_22, %broadcast_in_dim3A_25, %select_n3A_20 : vector<2048x128xi1>, vector<2048x128xi32>
    %slice3A_27 = vector.extract_strided_slice %add3A_15 {offsets = [0, 384], sizes = [2048, 128], strides = [1, 1]} : vector<2048x512xf32> to vector<2048x128xf32>
    %lt3A_28 = arith.cmpf olt, %slice3A_27, %select_n3A_23 : vector<2048x128xf32>
    %select_n3A_29 = arith.select %lt3A_28, %slice3A_27, %select_n3A_23 : vector<2048x128xi1>, vector<2048x128xf32>
    %jit3A_30 = arith.constant 3 : i32
    %broadcast_in_dim3A_31 = vector.broadcast %jit3A_30 : i32 to vector<2048x128xi32>
    %select_n3A_32 = arith.select %lt3A_28, %broadcast_in_dim3A_31, %select_n3A_26 : vector<2048x128xi1>, vector<2048x128xi32>
    %slice3A_33 = vector.extract_strided_slice %get3A_4 {offsets = [0, 512], sizes = [32, 512], strides = [1, 1]} : vector<32x8192xf32> to vector<32x512xf32>
    %dot_general3A_34 = arith.constant dense<0.000000e+00> : vector<2048x512xf32>
    %dot_general3A_35 = tpu.matmul %get3A_1, %slice3A_33, %dot_general3A_34 {dimension_numbers = #tpu.dot_dimension_numbers<[1], [0], [0], [1], [0, 0, 1, 1], [], []>, transpose_lhs_hint = false} : vector<2048x32xf32>, vector<32x512xf32>, vector<2048x512xf32> -> vector<2048x512xf32>
    %add3A_36 = vector.broadcast %get3A_7 : vector<2048x1xf32> to vector<2048x512xf32>
    %add3A_37 = arith.addf %add3A_36, %dot_general3A_35 : vector<2048x512xf32>
    %slice3A_38 = vector.extract_strided_slice %get3A_10 {offsets = [0, 512], sizes = [1, 512], strides = [1, 1]} : vector<1x8192xf32> to vector<1x512xf32>
    %add3A_39 = vector.broadcast %slice3A_38 : vector<1x512xf32> to vector<2048x512xf32>
    %add3A_40 = arith.addf %add3A_37, %add3A_39 : vector<2048x512xf32>
    %slice3A_41 = vector.extract_strided_slice %add3A_40 {offsets = [0, 0], sizes = [2048, 128], strides = [1, 1]} : vector<2048x512xf32> to vector<2048x128xf32>
    %lt3A_42 = arith.cmpf olt, %slice3A_41, %select_n3A_29 : vector<2048x128xf32>
    %select_n3A_43 = arith.select %lt3A_42, %slice3A_41, %select_n3A_29 : vector<2048x128xi1>, vector<2048x128xf32>
    %jit3A_44 = arith.constant 4 : i32
    %broadcast_in_dim3A_45 = vector.broadcast %jit3A_44 : i32 to vector<2048x128xi32>
    %select_n3A_46 = arith.select %lt3A_42, %broadcast_in_dim3A_45, %select_n3A_32 : vector<2048x128xi1>, vector<2048x128xi32>
    %slice3A_47 = vector.extract_strided_slice %add3A_40 {offsets = [0, 128], sizes = [2048, 128], strides = [1, 1]} : vector<2048x512xf32> to vector<2048x128xf32>
    %lt3A_48 = arith.cmpf olt, %slice3A_47, %select_n3A_43 : vector<2048x128xf32>
    %select_n3A_49 = arith.select %lt3A_48, %slice3A_47, %select_n3A_43 : vector<2048x128xi1>, vector<2048x128xf32>
    %jit3A_50 = arith.constant 5 : i32
    %broadcast_in_dim3A_51 = vector.broadcast %jit3A_50 : i32 to vector<2048x128xi32>
    %select_n3A_52 = arith.select %lt3A_48, %broadcast_in_dim3A_51, %select_n3A_46 : vector<2048x128xi1>, vector<2048x128xi32>
    %slice3A_53 = vector.extract_strided_slice %add3A_40 {offsets = [0, 256], sizes = [2048, 128], strides = [1, 1]} : vector<2048x512xf32> to vector<2048x128xf32>
    %lt3A_54 = arith.cmpf olt, %slice3A_53, %select_n3A_49 : vector<2048x128xf32>
    %select_n3A_55 = arith.select %lt3A_54, %slice3A_53, %select_n3A_49 : vector<2048x128xi1>, vector<2048x128xf32>
    %jit3A_56 = arith.constant 6 : i32
    %broadcast_in_dim3A_57 = vector.broadcast %jit3A_56 : i32 to vector<2048x128xi32>
    %select_n3A_58 = arith.select %lt3A_54, %broadcast_in_dim3A_57, %select_n3A_52 : vector<2048x128xi1>, vector<2048x128xi32>
    %slice3A_59 = vector.extract_strided_slice %add3A_40 {offsets = [0, 384], sizes = [2048, 128], strides = [1, 1]} : vector<2048x512xf32> to vector<2048x128xf32>
    %lt3A_60 = arith.cmpf olt, %slice3A_59, %select_n3A_55 : vector<2048x128xf32>
    %select_n3A_61 = arith.select %lt3A_60, %slice3A_59, %select_n3A_55 : vector<2048x128xi1>, vector<2048x128xf32>
    %jit3A_62 = arith.constant 7 : i32
    %broadcast_in_dim3A_63 = vector.broadcast %jit3A_62 : i32 to vector<2048x128xi32>
    %select_n3A_64 = arith.select %lt3A_60, %broadcast_in_dim3A_63, %select_n3A_58 : vector<2048x128xi1>, vector<2048x128xi32>
    %slice3A_65 = vector.extract_strided_slice %get3A_4 {offsets = [0, 1024], sizes = [32, 512], strides = [1, 1]} : vector<32x8192xf32> to vector<32x512xf32>
    %dot_general3A_66 = arith.constant dense<0.000000e+00> : vector<2048x512xf32>
    %dot_general3A_67 = tpu.matmul %get3A_1, %slice3A_65, %dot_general3A_66 {dimension_numbers = #tpu.dot_dimension_numbers<[1], [0], [0], [1], [0, 0, 1, 1], [], []>, transpose_lhs_hint = false} : vector<2048x32xf32>, vector<32x512xf32>, vector<2048x512xf32> -> vector<2048x512xf32>
    %add3A_68 = vector.broadcast %get3A_7 : vector<2048x1xf32> to vector<2048x512xf32>
    %add3A_69 = arith.addf %add3A_68, %dot_general3A_67 : vector<2048x512xf32>
    %slice3A_70 = vector.extract_strided_slice %get3A_10 {offsets = [0, 1024], sizes = [1, 512], strides = [1, 1]} : vector<1x8192xf32> to vector<1x512xf32>
    %add3A_71 = vector.broadcast %slice3A_70 : vector<1x512xf32> to vector<2048x512xf32>
    %add3A_72 = arith.addf %add3A_69, %add3A_71 : vector<2048x512xf32>
    %slice3A_73 = vector.extract_strided_slice %add3A_72 {offsets = [0, 0], sizes = [2048, 128], strides = [1, 1]} : vector<2048x512xf32> to vector<2048x128xf32>
    %lt3A_74 = arith.cmpf olt, %slice3A_73, %select_n3A_61 : vector<2048x128xf32>
    %select_n3A_75 = arith.select %lt3A_74, %slice3A_73, %select_n3A_61 : vector<2048x128xi1>, vector<2048x128xf32>
    %jit3A_76 = arith.constant 8 : i32
    %broadcast_in_dim3A_77 = vector.broadcast %jit3A_76 : i32 to vector<2048x128xi32>
    %select_n3A_78 = arith.select %lt3A_74, %broadcast_in_dim3A_77, %select_n3A_64 : vector<2048x128xi1>, vector<2048x128xi32>
    %slice3A_79 = vector.extract_strided_slice %add3A_72 {offsets = [0, 128], sizes = [2048, 128], strides = [1, 1]} : vector<2048x512xf32> to vector<2048x128xf32>
    %lt3A_80 = arith.cmpf olt, %slice3A_79, %select_n3A_75 : vector<2048x128xf32>
    %select_n3A_81 = arith.select %lt3A_80, %slice3A_79, %select_n3A_75 : vector<2048x128xi1>, vector<2048x128xf32>
    %jit3A_82 = arith.constant 9 : i32
    %broadcast_in_dim3A_83 = vector.broadcast %jit3A_82 : i32 to vector<2048x128xi32>
    %select_n3A_84 = arith.select %lt3A_80, %broadcast_in_dim3A_83, %select_n3A_78 : vector<2048x128xi1>, vector<2048x128xi32>
    %slice3A_85 = vector.extract_strided_slice %add3A_72 {offsets = [0, 256], sizes = [2048, 128], strides = [1, 1]} : vector<2048x512xf32> to vector<2048x128xf32>
    %lt3A_86 = arith.cmpf olt, %slice3A_85, %select_n3A_81 : vector<2048x128xf32>
    %select_n3A_87 = arith.select %lt3A_86, %slice3A_85, %select_n3A_81 : vector<2048x128xi1>, vector<2048x128xf32>
    %jit3A_88 = arith.constant 10 : i32
    %broadcast_in_dim3A_89 = vector.broadcast %jit3A_88 : i32 to vector<2048x128xi32>
    %select_n3A_90 = arith.select %lt3A_86, %broadcast_in_dim3A_89, %select_n3A_84 : vector<2048x128xi1>, vector<2048x128xi32>
    %slice3A_91 = vector.extract_strided_slice %add3A_72 {offsets = [0, 384], sizes = [2048, 128], strides = [1, 1]} : vector<2048x512xf32> to vector<2048x128xf32>
    %lt3A_92 = arith.cmpf olt, %slice3A_91, %select_n3A_87 : vector<2048x128xf32>
    %select_n3A_93 = arith.select %lt3A_92, %slice3A_91, %select_n3A_87 : vector<2048x128xi1>, vector<2048x128xf32>
    %jit3A_94 = arith.constant 11 : i32
    %broadcast_in_dim3A_95 = vector.broadcast %jit3A_94 : i32 to vector<2048x128xi32>
    %select_n3A_96 = arith.select %lt3A_92, %broadcast_in_dim3A_95, %select_n3A_90 : vector<2048x128xi1>, vector<2048x128xi32>
    %slice3A_97 = vector.extract_strided_slice %get3A_4 {offsets = [0, 1536], sizes = [32, 512], strides = [1, 1]} : vector<32x8192xf32> to vector<32x512xf32>
    %dot_general3A_98 = arith.constant dense<0.000000e+00> : vector<2048x512xf32>
    %dot_general3A_99 = tpu.matmul %get3A_1, %slice3A_97, %dot_general3A_98 {dimension_numbers = #tpu.dot_dimension_numbers<[1], [0], [0], [1], [0, 0, 1, 1], [], []>, transpose_lhs_hint = false} : vector<2048x32xf32>, vector<32x512xf32>, vector<2048x512xf32> -> vector<2048x512xf32>
    %add3A_100 = vector.broadcast %get3A_7 : vector<2048x1xf32> to vector<2048x512xf32>
    %add3A_101 = arith.addf %add3A_100, %dot_general3A_99 : vector<2048x512xf32>
    %slice3A_102 = vector.extract_strided_slice %get3A_10 {offsets = [0, 1536], sizes = [1, 512], strides = [1, 1]} : vector<1x8192xf32> to vector<1x512xf32>
    %add3A_103 = vector.broadcast %slice3A_102 : vector<1x512xf32> to vector<2048x512xf32>
    %add3A_104 = arith.addf %add3A_101, %add3A_103 : vector<2048x512xf32>
    %slice3A_105 = vector.extract_strided_slice %add3A_104 {offsets = [0, 0], sizes = [2048, 128], strides = [1, 1]} : vector<2048x512xf32> to vector<2048x128xf32>
    %lt3A_106 = arith.cmpf olt, %slice3A_105, %select_n3A_93 : vector<2048x128xf32>
    %select_n3A_107 = arith.select %lt3A_106, %slice3A_105, %select_n3A_93 : vector<2048x128xi1>, vector<2048x128xf32>
    %jit3A_108 = arith.constant 12 : i32
    %broadcast_in_dim3A_109 = vector.broadcast %jit3A_108 : i32 to vector<2048x128xi32>
    %select_n3A_110 = arith.select %lt3A_106, %broadcast_in_dim3A_109, %select_n3A_96 : vector<2048x128xi1>, vector<2048x128xi32>
    %slice3A_111 = vector.extract_strided_slice %add3A_104 {offsets = [0, 128], sizes = [2048, 128], strides = [1, 1]} : vector<2048x512xf32> to vector<2048x128xf32>
    %lt3A_112 = arith.cmpf olt, %slice3A_111, %select_n3A_107 : vector<2048x128xf32>
    %select_n3A_113 = arith.select %lt3A_112, %slice3A_111, %select_n3A_107 : vector<2048x128xi1>, vector<2048x128xf32>
    %jit3A_114 = arith.constant 13 : i32
    %broadcast_in_dim3A_115 = vector.broadcast %jit3A_114 : i32 to vector<2048x128xi32>
    %select_n3A_116 = arith.select %lt3A_112, %broadcast_in_dim3A_115, %select_n3A_110 : vector<2048x128xi1>, vector<2048x128xi32>
    %slice3A_117 = vector.extract_strided_slice %add3A_104 {offsets = [0, 256], sizes = [2048, 128], strides = [1, 1]} : vector<2048x512xf32> to vector<2048x128xf32>
    %lt3A_118 = arith.cmpf olt, %slice3A_117, %select_n3A_113 : vector<2048x128xf32>
    %select_n3A_119 = arith.select %lt3A_118, %slice3A_117, %select_n3A_113 : vector<2048x128xi1>, vector<2048x128xf32>
    %jit3A_120 = arith.constant 14 : i32
    %broadcast_in_dim3A_121 = vector.broadcast %jit3A_120 : i32 to vector<2048x128xi32>
    %select_n3A_122 = arith.select %lt3A_118, %broadcast_in_dim3A_121, %select_n3A_116 : vector<2048x128xi1>, vector<2048x128xi32>
    %slice3A_123 = vector.extract_strided_slice %add3A_104 {offsets = [0, 384], sizes = [2048, 128], strides = [1, 1]} : vector<2048x512xf32> to vector<2048x128xf32>
    %lt3A_124 = arith.cmpf olt, %slice3A_123, %select_n3A_119 : vector<2048x128xf32>
    %select_n3A_125 = arith.select %lt3A_124, %slice3A_123, %select_n3A_119 : vector<2048x128xi1>, vector<2048x128xf32>
    %jit3A_126 = arith.constant 15 : i32
    %broadcast_in_dim3A_127 = vector.broadcast %jit3A_126 : i32 to vector<2048x128xi32>
    %select_n3A_128 = arith.select %lt3A_124, %broadcast_in_dim3A_127, %select_n3A_122 : vector<2048x128xi1>, vector<2048x128xi32>
    %slice3A_129 = vector.extract_strided_slice %get3A_4 {offsets = [0, 2048], sizes = [32, 512], strides = [1, 1]} : vector<32x8192xf32> to vector<32x512xf32>
    %dot_general3A_130 = arith.constant dense<0.000000e+00> : vector<2048x512xf32>
    %dot_general3A_131 = tpu.matmul %get3A_1, %slice3A_129, %dot_general3A_130 {dimension_numbers = #tpu.dot_dimension_numbers<[1], [0], [0], [1], [0, 0, 1, 1], [], []>, transpose_lhs_hint = false} : vector<2048x32xf32>, vector<32x512xf32>, vector<2048x512xf32> -> vector<2048x512xf32>
    %add3A_132 = vector.broadcast %get3A_7 : vector<2048x1xf32> to vector<2048x512xf32>
    %add3A_133 = arith.addf %add3A_132, %dot_general3A_131 : vector<2048x512xf32>
    %slice3A_134 = vector.extract_strided_slice %get3A_10 {offsets = [0, 2048], sizes = [1, 512], strides = [1, 1]} : vector<1x8192xf32> to vector<1x512xf32>
    %add3A_135 = vector.broadcast %slice3A_134 : vector<1x512xf32> to vector<2048x512xf32>
    %add3A_136 = arith.addf %add3A_133, %add3A_135 : vector<2048x512xf32>
    %slice3A_137 = vector.extract_strided_slice %add3A_136 {offsets = [0, 0], sizes = [2048, 128], strides = [1, 1]} : vector<2048x512xf32> to vector<2048x128xf32>
    %lt3A_138 = arith.cmpf olt, %slice3A_137, %select_n3A_125 : vector<2048x128xf32>
    %select_n3A_139 = arith.select %lt3A_138, %slice3A_137, %select_n3A_125 : vector<2048x128xi1>, vector<2048x128xf32>
    %jit3A_140 = arith.constant 16 : i32
    %broadcast_in_dim3A_141 = vector.broadcast %jit3A_140 : i32 to vector<2048x128xi32>
    %select_n3A_142 = arith.select %lt3A_138, %broadcast_in_dim3A_141, %select_n3A_128 : vector<2048x128xi1>, vector<2048x128xi32>
    %slice3A_143 = vector.extract_strided_slice %add3A_136 {offsets = [0, 128], sizes = [2048, 128], strides = [1, 1]} : vector<2048x512xf32> to vector<2048x128xf32>
    %lt3A_144 = arith.cmpf olt, %slice3A_143, %select_n3A_139 : vector<2048x128xf32>
    %select_n3A_145 = arith.select %lt3A_144, %slice3A_143, %select_n3A_139 : vector<2048x128xi1>, vector<2048x128xf32>
    %jit3A_146 = arith.constant 17 : i32
    %broadcast_in_dim3A_147 = vector.broadcast %jit3A_146 : i32 to vector<2048x128xi32>
    %select_n3A_148 = arith.select %lt3A_144, %broadcast_in_dim3A_147, %select_n3A_142 : vector<2048x128xi1>, vector<2048x128xi32>
    %slice3A_149 = vector.extract_strided_slice %add3A_136 {offsets = [0, 256], sizes = [2048, 128], strides = [1, 1]} : vector<2048x512xf32> to vector<2048x128xf32>
    %lt3A_150 = arith.cmpf olt, %slice3A_149, %select_n3A_145 : vector<2048x128xf32>
    %select_n3A_151 = arith.select %lt3A_150, %slice3A_149, %select_n3A_145 : vector<2048x128xi1>, vector<2048x128xf32>
    %jit3A_152 = arith.constant 18 : i32
    %broadcast_in_dim3A_153 = vector.broadcast %jit3A_152 : i32 to vector<2048x128xi32>
    %select_n3A_154 = arith.select %lt3A_150, %broadcast_in_dim3A_153, %select_n3A_148 : vector<2048x128xi1>, vector<2048x128xi32>
    %slice3A_155 = vector.extract_strided_slice %add3A_136 {offsets = [0, 384], sizes = [2048, 128], strides = [1, 1]} : vector<2048x512xf32> to vector<2048x128xf32>
    %lt3A_156 = arith.cmpf olt, %slice3A_155, %select_n3A_151 : vector<2048x128xf32>
    %select_n3A_157 = arith.select %lt3A_156, %slice3A_155, %select_n3A_151 : vector<2048x128xi1>, vector<2048x128xf32>
    %jit3A_158 = arith.constant 19 : i32
    %broadcast_in_dim3A_159 = vector.broadcast %jit3A_158 : i32 to vector<2048x128xi32>
    %select_n3A_160 = arith.select %lt3A_156, %broadcast_in_dim3A_159, %select_n3A_154 : vector<2048x128xi1>, vector<2048x128xi32>
    %slice3A_161 = vector.extract_strided_slice %get3A_4 {offsets = [0, 2560], sizes = [32, 512], strides = [1, 1]} : vector<32x8192xf32> to vector<32x512xf32>
    %dot_general3A_162 = arith.constant dense<0.000000e+00> : vector<2048x512xf32>
    %dot_general3A_163 = tpu.matmul %get3A_1, %slice3A_161, %dot_general3A_162 {dimension_numbers = #tpu.dot_dimension_numbers<[1], [0], [0], [1], [0, 0, 1, 1], [], []>, transpose_lhs_hint = false} : vector<2048x32xf32>, vector<32x512xf32>, vector<2048x512xf32> -> vector<2048x512xf32>
    %add3A_164 = vector.broadcast %get3A_7 : vector<2048x1xf32> to vector<2048x512xf32>
    %add3A_165 = arith.addf %add3A_164, %dot_general3A_163 : vector<2048x512xf32>
    %slice3A_166 = vector.extract_strided_slice %get3A_10 {offsets = [0, 2560], sizes = [1, 512], strides = [1, 1]} : vector<1x8192xf32> to vector<1x512xf32>
    %add3A_167 = vector.broadcast %slice3A_166 : vector<1x512xf32> to vector<2048x512xf32>
    %add3A_168 = arith.addf %add3A_165, %add3A_167 : vector<2048x512xf32>
    %slice3A_169 = vector.extract_strided_slice %add3A_168 {offsets = [0, 0], sizes = [2048, 128], strides = [1, 1]} : vector<2048x512xf32> to vector<2048x128xf32>
    %lt3A_170 = arith.cmpf olt, %slice3A_169, %select_n3A_157 : vector<2048x128xf32>
    %select_n3A_171 = arith.select %lt3A_170, %slice3A_169, %select_n3A_157 : vector<2048x128xi1>, vector<2048x128xf32>
    %jit3A_172 = arith.constant 20 : i32
    %broadcast_in_dim3A_173 = vector.broadcast %jit3A_172 : i32 to vector<2048x128xi32>
    %select_n3A_174 = arith.select %lt3A_170, %broadcast_in_dim3A_173, %select_n3A_160 : vector<2048x128xi1>, vector<2048x128xi32>
    %slice3A_175 = vector.extract_strided_slice %add3A_168 {offsets = [0, 128], sizes = [2048, 128], strides = [1, 1]} : vector<2048x512xf32> to vector<2048x128xf32>
    %lt3A_176 = arith.cmpf olt, %slice3A_175, %select_n3A_171 : vector<2048x128xf32>
    %select_n3A_177 = arith.select %lt3A_176, %slice3A_175, %select_n3A_171 : vector<2048x128xi1>, vector<2048x128xf32>
    %jit3A_178 = arith.constant 21 : i32
    %broadcast_in_dim3A_179 = vector.broadcast %jit3A_178 : i32 to vector<2048x128xi32>
    %select_n3A_180 = arith.select %lt3A_176, %broadcast_in_dim3A_179, %select_n3A_174 : vector<2048x128xi1>, vector<2048x128xi32>
    %slice3A_181 = vector.extract_strided_slice %add3A_168 {offsets = [0, 256], sizes = [2048, 128], strides = [1, 1]} : vector<2048x512xf32> to vector<2048x128xf32>
    %lt3A_182 = arith.cmpf olt, %slice3A_181, %select_n3A_177 : vector<2048x128xf32>
    %select_n3A_183 = arith.select %lt3A_182, %slice3A_181, %select_n3A_177 : vector<2048x128xi1>, vector<2048x128xf32>
    %jit3A_184 = arith.constant 22 : i32
    %broadcast_in_dim3A_185 = vector.broadcast %jit3A_184 : i32 to vector<2048x128xi32>
    %select_n3A_186 = arith.select %lt3A_182, %broadcast_in_dim3A_185, %select_n3A_180 : vector<2048x128xi1>, vector<2048x128xi32>
    %slice3A_187 = vector.extract_strided_slice %add3A_168 {offsets = [0, 384], sizes = [2048, 128], strides = [1, 1]} : vector<2048x512xf32> to vector<2048x128xf32>
    %lt3A_188 = arith.cmpf olt, %slice3A_187, %select_n3A_183 : vector<2048x128xf32>
    %select_n3A_189 = arith.select %lt3A_188, %slice3A_187, %select_n3A_183 : vector<2048x128xi1>, vector<2048x128xf32>
    %jit3A_190 = arith.constant 23 : i32
    %broadcast_in_dim3A_191 = vector.broadcast %jit3A_190 : i32 to vector<2048x128xi32>
    %select_n3A_192 = arith.select %lt3A_188, %broadcast_in_dim3A_191, %select_n3A_186 : vector<2048x128xi1>, vector<2048x128xi32>
    %slice3A_193 = vector.extract_strided_slice %get3A_4 {offsets = [0, 3072], sizes = [32, 512], strides = [1, 1]} : vector<32x8192xf32> to vector<32x512xf32>
    %dot_general3A_194 = arith.constant dense<0.000000e+00> : vector<2048x512xf32>
    %dot_general3A_195 = tpu.matmul %get3A_1, %slice3A_193, %dot_general3A_194 {dimension_numbers = #tpu.dot_dimension_numbers<[1], [0], [0], [1], [0, 0, 1, 1], [], []>, transpose_lhs_hint = false} : vector<2048x32xf32>, vector<32x512xf32>, vector<2048x512xf32> -> vector<2048x512xf32>
    %add3A_196 = vector.broadcast %get3A_7 : vector<2048x1xf32> to vector<2048x512xf32>
    %add3A_197 = arith.addf %add3A_196, %dot_general3A_195 : vector<2048x512xf32>
    %slice3A_198 = vector.extract_strided_slice %get3A_10 {offsets = [0, 3072], sizes = [1, 512], strides = [1, 1]} : vector<1x8192xf32> to vector<1x512xf32>
    %add3A_199 = vector.broadcast %slice3A_198 : vector<1x512xf32> to vector<2048x512xf32>
    %add3A_200 = arith.addf %add3A_197, %add3A_199 : vector<2048x512xf32>
    %slice3A_201 = vector.extract_strided_slice %add3A_200 {offsets = [0, 0], sizes = [2048, 128], strides = [1, 1]} : vector<2048x512xf32> to vector<2048x128xf32>
    %lt3A_202 = arith.cmpf olt, %slice3A_201, %select_n3A_189 : vector<2048x128xf32>
    %select_n3A_203 = arith.select %lt3A_202, %slice3A_201, %select_n3A_189 : vector<2048x128xi1>, vector<2048x128xf32>
    %jit3A_204 = arith.constant 24 : i32
    %broadcast_in_dim3A_205 = vector.broadcast %jit3A_204 : i32 to vector<2048x128xi32>
    %select_n3A_206 = arith.select %lt3A_202, %broadcast_in_dim3A_205, %select_n3A_192 : vector<2048x128xi1>, vector<2048x128xi32>
    %slice3A_207 = vector.extract_strided_slice %add3A_200 {offsets = [0, 128], sizes = [2048, 128], strides = [1, 1]} : vector<2048x512xf32> to vector<2048x128xf32>
    %lt3A_208 = arith.cmpf olt, %slice3A_207, %select_n3A_203 : vector<2048x128xf32>
    %select_n3A_209 = arith.select %lt3A_208, %slice3A_207, %select_n3A_203 : vector<2048x128xi1>, vector<2048x128xf32>
    %jit3A_210 = arith.constant 25 : i32
    %broadcast_in_dim3A_211 = vector.broadcast %jit3A_210 : i32 to vector<2048x128xi32>
    %select_n3A_212 = arith.select %lt3A_208, %broadcast_in_dim3A_211, %select_n3A_206 : vector<2048x128xi1>, vector<2048x128xi32>
    %slice3A_213 = vector.extract_strided_slice %add3A_200 {offsets = [0, 256], sizes = [2048, 128], strides = [1, 1]} : vector<2048x512xf32> to vector<2048x128xf32>
    %lt3A_214 = arith.cmpf olt, %slice3A_213, %select_n3A_209 : vector<2048x128xf32>
    %select_n3A_215 = arith.select %lt3A_214, %slice3A_213, %select_n3A_209 : vector<2048x128xi1>, vector<2048x128xf32>
    %jit3A_216 = arith.constant 26 : i32
    %broadcast_in_dim3A_217 = vector.broadcast %jit3A_216 : i32 to vector<2048x128xi32>
    %select_n3A_218 = arith.select %lt3A_214, %broadcast_in_dim3A_217, %select_n3A_212 : vector<2048x128xi1>, vector<2048x128xi32>
    %slice3A_219 = vector.extract_strided_slice %add3A_200 {offsets = [0, 384], sizes = [2048, 128], strides = [1, 1]} : vector<2048x512xf32> to vector<2048x128xf32>
    %lt3A_220 = arith.cmpf olt, %slice3A_219, %select_n3A_215 : vector<2048x128xf32>
    %select_n3A_221 = arith.select %lt3A_220, %slice3A_219, %select_n3A_215 : vector<2048x128xi1>, vector<2048x128xf32>
    %jit3A_222 = arith.constant 27 : i32
    %broadcast_in_dim3A_223 = vector.broadcast %jit3A_222 : i32 to vector<2048x128xi32>
    %select_n3A_224 = arith.select %lt3A_220, %broadcast_in_dim3A_223, %select_n3A_218 : vector<2048x128xi1>, vector<2048x128xi32>
    %slice3A_225 = vector.extract_strided_slice %get3A_4 {offsets = [0, 3584], sizes = [32, 512], strides = [1, 1]} : vector<32x8192xf32> to vector<32x512xf32>
    %dot_general3A_226 = arith.constant dense<0.000000e+00> : vector<2048x512xf32>
    %dot_general3A_227 = tpu.matmul %get3A_1, %slice3A_225, %dot_general3A_226 {dimension_numbers = #tpu.dot_dimension_numbers<[1], [0], [0], [1], [0, 0, 1, 1], [], []>, transpose_lhs_hint = false} : vector<2048x32xf32>, vector<32x512xf32>, vector<2048x512xf32> -> vector<2048x512xf32>
    %add3A_228 = vector.broadcast %get3A_7 : vector<2048x1xf32> to vector<2048x512xf32>
    %add3A_229 = arith.addf %add3A_228, %dot_general3A_227 : vector<2048x512xf32>
    %slice3A_230 = vector.extract_strided_slice %get3A_10 {offsets = [0, 3584], sizes = [1, 512], strides = [1, 1]} : vector<1x8192xf32> to vector<1x512xf32>
    %add3A_231 = vector.broadcast %slice3A_230 : vector<1x512xf32> to vector<2048x512xf32>
    %add3A_232 = arith.addf %add3A_229, %add3A_231 : vector<2048x512xf32>
    %slice3A_233 = vector.extract_strided_slice %add3A_232 {offsets = [0, 0], sizes = [2048, 128], strides = [1, 1]} : vector<2048x512xf32> to vector<2048x128xf32>
    %lt3A_234 = arith.cmpf olt, %slice3A_233, %select_n3A_221 : vector<2048x128xf32>
    %select_n3A_235 = arith.select %lt3A_234, %slice3A_233, %select_n3A_221 : vector<2048x128xi1>, vector<2048x128xf32>
    %jit3A_236 = arith.constant 28 : i32
    %broadcast_in_dim3A_237 = vector.broadcast %jit3A_236 : i32 to vector<2048x128xi32>
    %select_n3A_238 = arith.select %lt3A_234, %broadcast_in_dim3A_237, %select_n3A_224 : vector<2048x128xi1>, vector<2048x128xi32>
    %slice3A_239 = vector.extract_strided_slice %add3A_232 {offsets = [0, 128], sizes = [2048, 128], strides = [1, 1]} : vector<2048x512xf32> to vector<2048x128xf32>
    %lt3A_240 = arith.cmpf olt, %slice3A_239, %select_n3A_235 : vector<2048x128xf32>
    %select_n3A_241 = arith.select %lt3A_240, %slice3A_239, %select_n3A_235 : vector<2048x128xi1>, vector<2048x128xf32>
    %jit3A_242 = arith.constant 29 : i32
    %broadcast_in_dim3A_243 = vector.broadcast %jit3A_242 : i32 to vector<2048x128xi32>
    %select_n3A_244 = arith.select %lt3A_240, %broadcast_in_dim3A_243, %select_n3A_238 : vector<2048x128xi1>, vector<2048x128xi32>
    %slice3A_245 = vector.extract_strided_slice %add3A_232 {offsets = [0, 256], sizes = [2048, 128], strides = [1, 1]} : vector<2048x512xf32> to vector<2048x128xf32>
    %lt3A_246 = arith.cmpf olt, %slice3A_245, %select_n3A_241 : vector<2048x128xf32>
    %select_n3A_247 = arith.select %lt3A_246, %slice3A_245, %select_n3A_241 : vector<2048x128xi1>, vector<2048x128xf32>
    %jit3A_248 = arith.constant 30 : i32
    %broadcast_in_dim3A_249 = vector.broadcast %jit3A_248 : i32 to vector<2048x128xi32>
    %select_n3A_250 = arith.select %lt3A_246, %broadcast_in_dim3A_249, %select_n3A_244 : vector<2048x128xi1>, vector<2048x128xi32>
    %slice3A_251 = vector.extract_strided_slice %add3A_232 {offsets = [0, 384], sizes = [2048, 128], strides = [1, 1]} : vector<2048x512xf32> to vector<2048x128xf32>
    %lt3A_252 = arith.cmpf olt, %slice3A_251, %select_n3A_247 : vector<2048x128xf32>
    %select_n3A_253 = arith.select %lt3A_252, %slice3A_251, %select_n3A_247 : vector<2048x128xi1>, vector<2048x128xf32>
    %jit3A_254 = arith.constant 31 : i32
    %broadcast_in_dim3A_255 = vector.broadcast %jit3A_254 : i32 to vector<2048x128xi32>
    %select_n3A_256 = arith.select %lt3A_252, %broadcast_in_dim3A_255, %select_n3A_250 : vector<2048x128xi1>, vector<2048x128xi32>
    %iota3A = tpu.iota {dimensions = array<i32: 1>} : vector<2048x128xi32>
    %mul3A = arith.constant 128 : i32
    %mul3A_257 = vector.broadcast %mul3A : i32 to vector<2048x128xi32>
    %mul3A_258 = arith.muli %select_n3A_256, %mul3A_257 : vector<2048x128xi32>
    %add3A_259 = arith.constant 0 : i32
    %add3A_260 = vector.broadcast %add3A_259 : i32 to vector<2048x128xi32>
    %add3A_261 = arith.addi %add3A_260, %mul3A_258 : vector<2048x128xi32>
    %add3A_262 = arith.addi %add3A_261, %iota3A : vector<2048x128xi32>
    %reduce_min3A = arith.constant dense<0x7F800000> : vector<2048xf32>
    %reduce_min3A_263 = vector.multi_reduction <minimumf>, %select_n3A_253, %reduce_min3A [1] : vector<2048x128xf32> to vector<2048xf32>
    %broadcast_in_dim3A_264 = vector.shape_cast %reduce_min3A_263 : vector<2048xf32> to vector<2048x1xf32>
    %eq3A = vector.broadcast %broadcast_in_dim3A_264 : vector<2048x1xf32> to vector<2048x128xf32>
    %eq3A_265 = arith.cmpf oeq, %select_n3A_253, %eq3A : vector<2048x128xf32>
    %jit3A_266 = arith.constant 8192 : i32
    %broadcast_in_dim3A_267 = vector.broadcast %jit3A_266 : i32 to vector<2048x128xi32>
    %select_n3A_268 = arith.select %eq3A_265, %add3A_262, %broadcast_in_dim3A_267 : vector<2048x128xi1>, vector<2048x128xi32>
    %reduce_min3A_269 = arith.constant dense<2147483647> : vector<2048xi32>
    %reduce_min3A_270 = vector.multi_reduction <minsi>, %select_n3A_268, %reduce_min3A_269 [1] : vector<2048x128xi32> to vector<2048xi32>
    %squeeze3A = vector.shape_cast %broadcast_in_dim3A_264 : vector<2048x1xf32> to vector<2048xf32>
    %slice3A_271 = vector.extract_strided_slice %get3A_4 {offsets = [0, 4096], sizes = [32, 512], strides = [1, 1]} : vector<32x8192xf32> to vector<32x512xf32>
    %dot_general3A_272 = arith.constant dense<0.000000e+00> : vector<2048x512xf32>
    %dot_general3A_273 = tpu.matmul %get3A_1, %slice3A_271, %dot_general3A_272 {dimension_numbers = #tpu.dot_dimension_numbers<[1], [0], [0], [1], [0, 0, 1, 1], [], []>, transpose_lhs_hint = false} : vector<2048x32xf32>, vector<32x512xf32>, vector<2048x512xf32> -> vector<2048x512xf32>
    %add3A_274 = vector.broadcast %get3A_7 : vector<2048x1xf32> to vector<2048x512xf32>
    %add3A_275 = arith.addf %add3A_274, %dot_general3A_273 : vector<2048x512xf32>
    %slice3A_276 = vector.extract_strided_slice %get3A_10 {offsets = [0, 4096], sizes = [1, 512], strides = [1, 1]} : vector<1x8192xf32> to vector<1x512xf32>
    %add3A_277 = vector.broadcast %slice3A_276 : vector<1x512xf32> to vector<2048x512xf32>
    %add3A_278 = arith.addf %add3A_275, %add3A_277 : vector<2048x512xf32>
    %slice3A_279 = vector.extract_strided_slice %add3A_278 {offsets = [0, 0], sizes = [2048, 128], strides = [1, 1]} : vector<2048x512xf32> to vector<2048x128xf32>
    %broadcast_in_dim3A_280 = arith.constant 0 : i32
    %broadcast_in_dim3A_281 = vector.broadcast %broadcast_in_dim3A_280 : i32 to vector<2048x128xi32>
    %slice3A_282 = vector.extract_strided_slice %add3A_278 {offsets = [0, 128], sizes = [2048, 128], strides = [1, 1]} : vector<2048x512xf32> to vector<2048x128xf32>
    %lt3A_283 = arith.cmpf olt, %slice3A_282, %slice3A_279 : vector<2048x128xf32>
    %select_n3A_284 = arith.select %lt3A_283, %slice3A_282, %slice3A_279 : vector<2048x128xi1>, vector<2048x128xf32>
    %jit3A_285 = arith.constant 1 : i32
    %broadcast_in_dim3A_286 = vector.broadcast %jit3A_285 : i32 to vector<2048x128xi32>
    %select_n3A_287 = arith.select %lt3A_283, %broadcast_in_dim3A_286, %broadcast_in_dim3A_281 : vector<2048x128xi1>, vector<2048x128xi32>
    %slice3A_288 = vector.extract_strided_slice %add3A_278 {offsets = [0, 256], sizes = [2048, 128], strides = [1, 1]} : vector<2048x512xf32> to vector<2048x128xf32>
    %lt3A_289 = arith.cmpf olt, %slice3A_288, %select_n3A_284 : vector<2048x128xf32>
    %select_n3A_290 = arith.select %lt3A_289, %slice3A_288, %select_n3A_284 : vector<2048x128xi1>, vector<2048x128xf32>
    %jit3A_291 = arith.constant 2 : i32
    %broadcast_in_dim3A_292 = vector.broadcast %jit3A_291 : i32 to vector<2048x128xi32>
    %select_n3A_293 = arith.select %lt3A_289, %broadcast_in_dim3A_292, %select_n3A_287 : vector<2048x128xi1>, vector<2048x128xi32>
    %slice3A_294 = vector.extract_strided_slice %add3A_278 {offsets = [0, 384], sizes = [2048, 128], strides = [1, 1]} : vector<2048x512xf32> to vector<2048x128xf32>
    %lt3A_295 = arith.cmpf olt, %slice3A_294, %select_n3A_290 : vector<2048x128xf32>
    %select_n3A_296 = arith.select %lt3A_295, %slice3A_294, %select_n3A_290 : vector<2048x128xi1>, vector<2048x128xf32>
    %jit3A_297 = arith.constant 3 : i32
    %broadcast_in_dim3A_298 = vector.broadcast %jit3A_297 : i32 to vector<2048x128xi32>
    %select_n3A_299 = arith.select %lt3A_295, %broadcast_in_dim3A_298, %select_n3A_293 : vector<2048x128xi1>, vector<2048x128xi32>
    %slice3A_300 = vector.extract_strided_slice %get3A_4 {offsets = [0, 4608], sizes = [32, 512], strides = [1, 1]} : vector<32x8192xf32> to vector<32x512xf32>
    %dot_general3A_301 = arith.constant dense<0.000000e+00> : vector<2048x512xf32>
    %dot_general3A_302 = tpu.matmul %get3A_1, %slice3A_300, %dot_general3A_301 {dimension_numbers = #tpu.dot_dimension_numbers<[1], [0], [0], [1], [0, 0, 1, 1], [], []>, transpose_lhs_hint = false} : vector<2048x32xf32>, vector<32x512xf32>, vector<2048x512xf32> -> vector<2048x512xf32>
    %add3A_303 = vector.broadcast %get3A_7 : vector<2048x1xf32> to vector<2048x512xf32>
    %add3A_304 = arith.addf %add3A_303, %dot_general3A_302 : vector<2048x512xf32>
    %slice3A_305 = vector.extract_strided_slice %get3A_10 {offsets = [0, 4608], sizes = [1, 512], strides = [1, 1]} : vector<1x8192xf32> to vector<1x512xf32>
    %add3A_306 = vector.broadcast %slice3A_305 : vector<1x512xf32> to vector<2048x512xf32>
    %add3A_307 = arith.addf %add3A_304, %add3A_306 : vector<2048x512xf32>
    %slice3A_308 = vector.extract_strided_slice %add3A_307 {offsets = [0, 0], sizes = [2048, 128], strides = [1, 1]} : vector<2048x512xf32> to vector<2048x128xf32>
    %lt3A_309 = arith.cmpf olt, %slice3A_308, %select_n3A_296 : vector<2048x128xf32>
    %select_n3A_310 = arith.select %lt3A_309, %slice3A_308, %select_n3A_296 : vector<2048x128xi1>, vector<2048x128xf32>
    %jit3A_311 = arith.constant 4 : i32
    %broadcast_in_dim3A_312 = vector.broadcast %jit3A_311 : i32 to vector<2048x128xi32>
    %select_n3A_313 = arith.select %lt3A_309, %broadcast_in_dim3A_312, %select_n3A_299 : vector<2048x128xi1>, vector<2048x128xi32>
    %slice3A_314 = vector.extract_strided_slice %add3A_307 {offsets = [0, 128], sizes = [2048, 128], strides = [1, 1]} : vector<2048x512xf32> to vector<2048x128xf32>
    %lt3A_315 = arith.cmpf olt, %slice3A_314, %select_n3A_310 : vector<2048x128xf32>
    %select_n3A_316 = arith.select %lt3A_315, %slice3A_314, %select_n3A_310 : vector<2048x128xi1>, vector<2048x128xf32>
    %jit3A_317 = arith.constant 5 : i32
    %broadcast_in_dim3A_318 = vector.broadcast %jit3A_317 : i32 to vector<2048x128xi32>
    %select_n3A_319 = arith.select %lt3A_315, %broadcast_in_dim3A_318, %select_n3A_313 : vector<2048x128xi1>, vector<2048x128xi32>
    %slice3A_320 = vector.extract_strided_slice %add3A_307 {offsets = [0, 256], sizes = [2048, 128], strides = [1, 1]} : vector<2048x512xf32> to vector<2048x128xf32>
    %lt3A_321 = arith.cmpf olt, %slice3A_320, %select_n3A_316 : vector<2048x128xf32>
    %select_n3A_322 = arith.select %lt3A_321, %slice3A_320, %select_n3A_316 : vector<2048x128xi1>, vector<2048x128xf32>
    %jit3A_323 = arith.constant 6 : i32
    %broadcast_in_dim3A_324 = vector.broadcast %jit3A_323 : i32 to vector<2048x128xi32>
    %select_n3A_325 = arith.select %lt3A_321, %broadcast_in_dim3A_324, %select_n3A_319 : vector<2048x128xi1>, vector<2048x128xi32>
    %slice3A_326 = vector.extract_strided_slice %add3A_307 {offsets = [0, 384], sizes = [2048, 128], strides = [1, 1]} : vector<2048x512xf32> to vector<2048x128xf32>
    %lt3A_327 = arith.cmpf olt, %slice3A_326, %select_n3A_322 : vector<2048x128xf32>
    %select_n3A_328 = arith.select %lt3A_327, %slice3A_326, %select_n3A_322 : vector<2048x128xi1>, vector<2048x128xf32>
    %jit3A_329 = arith.constant 7 : i32
    %broadcast_in_dim3A_330 = vector.broadcast %jit3A_329 : i32 to vector<2048x128xi32>
    %select_n3A_331 = arith.select %lt3A_327, %broadcast_in_dim3A_330, %select_n3A_325 : vector<2048x128xi1>, vector<2048x128xi32>
    %slice3A_332 = vector.extract_strided_slice %get3A_4 {offsets = [0, 5120], sizes = [32, 512], strides = [1, 1]} : vector<32x8192xf32> to vector<32x512xf32>
    %dot_general3A_333 = arith.constant dense<0.000000e+00> : vector<2048x512xf32>
    %dot_general3A_334 = tpu.matmul %get3A_1, %slice3A_332, %dot_general3A_333 {dimension_numbers = #tpu.dot_dimension_numbers<[1], [0], [0], [1], [0, 0, 1, 1], [], []>, transpose_lhs_hint = false} : vector<2048x32xf32>, vector<32x512xf32>, vector<2048x512xf32> -> vector<2048x512xf32>
    %add3A_335 = vector.broadcast %get3A_7 : vector<2048x1xf32> to vector<2048x512xf32>
    %add3A_336 = arith.addf %add3A_335, %dot_general3A_334 : vector<2048x512xf32>
    %slice3A_337 = vector.extract_strided_slice %get3A_10 {offsets = [0, 5120], sizes = [1, 512], strides = [1, 1]} : vector<1x8192xf32> to vector<1x512xf32>
    %add3A_338 = vector.broadcast %slice3A_337 : vector<1x512xf32> to vector<2048x512xf32>
    %add3A_339 = arith.addf %add3A_336, %add3A_338 : vector<2048x512xf32>
    %slice3A_340 = vector.extract_strided_slice %add3A_339 {offsets = [0, 0], sizes = [2048, 128], strides = [1, 1]} : vector<2048x512xf32> to vector<2048x128xf32>
    %lt3A_341 = arith.cmpf olt, %slice3A_340, %select_n3A_328 : vector<2048x128xf32>
    %select_n3A_342 = arith.select %lt3A_341, %slice3A_340, %select_n3A_328 : vector<2048x128xi1>, vector<2048x128xf32>
    %jit3A_343 = arith.constant 8 : i32
    %broadcast_in_dim3A_344 = vector.broadcast %jit3A_343 : i32 to vector<2048x128xi32>
    %select_n3A_345 = arith.select %lt3A_341, %broadcast_in_dim3A_344, %select_n3A_331 : vector<2048x128xi1>, vector<2048x128xi32>
    %slice3A_346 = vector.extract_strided_slice %add3A_339 {offsets = [0, 128], sizes = [2048, 128], strides = [1, 1]} : vector<2048x512xf32> to vector<2048x128xf32>
    %lt3A_347 = arith.cmpf olt, %slice3A_346, %select_n3A_342 : vector<2048x128xf32>
    %select_n3A_348 = arith.select %lt3A_347, %slice3A_346, %select_n3A_342 : vector<2048x128xi1>, vector<2048x128xf32>
    %jit3A_349 = arith.constant 9 : i32
    %broadcast_in_dim3A_350 = vector.broadcast %jit3A_349 : i32 to vector<2048x128xi32>
    %select_n3A_351 = arith.select %lt3A_347, %broadcast_in_dim3A_350, %select_n3A_345 : vector<2048x128xi1>, vector<2048x128xi32>
    %slice3A_352 = vector.extract_strided_slice %add3A_339 {offsets = [0, 256], sizes = [2048, 128], strides = [1, 1]} : vector<2048x512xf32> to vector<2048x128xf32>
    %lt3A_353 = arith.cmpf olt, %slice3A_352, %select_n3A_348 : vector<2048x128xf32>
    %select_n3A_354 = arith.select %lt3A_353, %slice3A_352, %select_n3A_348 : vector<2048x128xi1>, vector<2048x128xf32>
    %jit3A_355 = arith.constant 10 : i32
    %broadcast_in_dim3A_356 = vector.broadcast %jit3A_355 : i32 to vector<2048x128xi32>
    %select_n3A_357 = arith.select %lt3A_353, %broadcast_in_dim3A_356, %select_n3A_351 : vector<2048x128xi1>, vector<2048x128xi32>
    %slice3A_358 = vector.extract_strided_slice %add3A_339 {offsets = [0, 384], sizes = [2048, 128], strides = [1, 1]} : vector<2048x512xf32> to vector<2048x128xf32>
    %lt3A_359 = arith.cmpf olt, %slice3A_358, %select_n3A_354 : vector<2048x128xf32>
    %select_n3A_360 = arith.select %lt3A_359, %slice3A_358, %select_n3A_354 : vector<2048x128xi1>, vector<2048x128xf32>
    %jit3A_361 = arith.constant 11 : i32
    %broadcast_in_dim3A_362 = vector.broadcast %jit3A_361 : i32 to vector<2048x128xi32>
    %select_n3A_363 = arith.select %lt3A_359, %broadcast_in_dim3A_362, %select_n3A_357 : vector<2048x128xi1>, vector<2048x128xi32>
    %slice3A_364 = vector.extract_strided_slice %get3A_4 {offsets = [0, 5632], sizes = [32, 512], strides = [1, 1]} : vector<32x8192xf32> to vector<32x512xf32>
    %dot_general3A_365 = arith.constant dense<0.000000e+00> : vector<2048x512xf32>
    %dot_general3A_366 = tpu.matmul %get3A_1, %slice3A_364, %dot_general3A_365 {dimension_numbers = #tpu.dot_dimension_numbers<[1], [0], [0], [1], [0, 0, 1, 1], [], []>, transpose_lhs_hint = false} : vector<2048x32xf32>, vector<32x512xf32>, vector<2048x512xf32> -> vector<2048x512xf32>
    %add3A_367 = vector.broadcast %get3A_7 : vector<2048x1xf32> to vector<2048x512xf32>
    %add3A_368 = arith.addf %add3A_367, %dot_general3A_366 : vector<2048x512xf32>
    %slice3A_369 = vector.extract_strided_slice %get3A_10 {offsets = [0, 5632], sizes = [1, 512], strides = [1, 1]} : vector<1x8192xf32> to vector<1x512xf32>
    %add3A_370 = vector.broadcast %slice3A_369 : vector<1x512xf32> to vector<2048x512xf32>
    %add3A_371 = arith.addf %add3A_368, %add3A_370 : vector<2048x512xf32>
    %slice3A_372 = vector.extract_strided_slice %add3A_371 {offsets = [0, 0], sizes = [2048, 128], strides = [1, 1]} : vector<2048x512xf32> to vector<2048x128xf32>
    %lt3A_373 = arith.cmpf olt, %slice3A_372, %select_n3A_360 : vector<2048x128xf32>
    %select_n3A_374 = arith.select %lt3A_373, %slice3A_372, %select_n3A_360 : vector<2048x128xi1>, vector<2048x128xf32>
    %jit3A_375 = arith.constant 12 : i32
    %broadcast_in_dim3A_376 = vector.broadcast %jit3A_375 : i32 to vector<2048x128xi32>
    %select_n3A_377 = arith.select %lt3A_373, %broadcast_in_dim3A_376, %select_n3A_363 : vector<2048x128xi1>, vector<2048x128xi32>
    %slice3A_378 = vector.extract_strided_slice %add3A_371 {offsets = [0, 128], sizes = [2048, 128], strides = [1, 1]} : vector<2048x512xf32> to vector<2048x128xf32>
    %lt3A_379 = arith.cmpf olt, %slice3A_378, %select_n3A_374 : vector<2048x128xf32>
    %select_n3A_380 = arith.select %lt3A_379, %slice3A_378, %select_n3A_374 : vector<2048x128xi1>, vector<2048x128xf32>
    %jit3A_381 = arith.constant 13 : i32
    %broadcast_in_dim3A_382 = vector.broadcast %jit3A_381 : i32 to vector<2048x128xi32>
    %select_n3A_383 = arith.select %lt3A_379, %broadcast_in_dim3A_382, %select_n3A_377 : vector<2048x128xi1>, vector<2048x128xi32>
    %slice3A_384 = vector.extract_strided_slice %add3A_371 {offsets = [0, 256], sizes = [2048, 128], strides = [1, 1]} : vector<2048x512xf32> to vector<2048x128xf32>
    %lt3A_385 = arith.cmpf olt, %slice3A_384, %select_n3A_380 : vector<2048x128xf32>
    %select_n3A_386 = arith.select %lt3A_385, %slice3A_384, %select_n3A_380 : vector<2048x128xi1>, vector<2048x128xf32>
    %jit3A_387 = arith.constant 14 : i32
    %broadcast_in_dim3A_388 = vector.broadcast %jit3A_387 : i32 to vector<2048x128xi32>
    %select_n3A_389 = arith.select %lt3A_385, %broadcast_in_dim3A_388, %select_n3A_383 : vector<2048x128xi1>, vector<2048x128xi32>
    %slice3A_390 = vector.extract_strided_slice %add3A_371 {offsets = [0, 384], sizes = [2048, 128], strides = [1, 1]} : vector<2048x512xf32> to vector<2048x128xf32>
    %lt3A_391 = arith.cmpf olt, %slice3A_390, %select_n3A_386 : vector<2048x128xf32>
    %select_n3A_392 = arith.select %lt3A_391, %slice3A_390, %select_n3A_386 : vector<2048x128xi1>, vector<2048x128xf32>
    %jit3A_393 = arith.constant 15 : i32
    %broadcast_in_dim3A_394 = vector.broadcast %jit3A_393 : i32 to vector<2048x128xi32>
    %select_n3A_395 = arith.select %lt3A_391, %broadcast_in_dim3A_394, %select_n3A_389 : vector<2048x128xi1>, vector<2048x128xi32>
    %slice3A_396 = vector.extract_strided_slice %get3A_4 {offsets = [0, 6144], sizes = [32, 512], strides = [1, 1]} : vector<32x8192xf32> to vector<32x512xf32>
    %dot_general3A_397 = arith.constant dense<0.000000e+00> : vector<2048x512xf32>
    %dot_general3A_398 = tpu.matmul %get3A_1, %slice3A_396, %dot_general3A_397 {dimension_numbers = #tpu.dot_dimension_numbers<[1], [0], [0], [1], [0, 0, 1, 1], [], []>, transpose_lhs_hint = false} : vector<2048x32xf32>, vector<32x512xf32>, vector<2048x512xf32> -> vector<2048x512xf32>
    %add3A_399 = vector.broadcast %get3A_7 : vector<2048x1xf32> to vector<2048x512xf32>
    %add3A_400 = arith.addf %add3A_399, %dot_general3A_398 : vector<2048x512xf32>
    %slice3A_401 = vector.extract_strided_slice %get3A_10 {offsets = [0, 6144], sizes = [1, 512], strides = [1, 1]} : vector<1x8192xf32> to vector<1x512xf32>
    %add3A_402 = vector.broadcast %slice3A_401 : vector<1x512xf32> to vector<2048x512xf32>
    %add3A_403 = arith.addf %add3A_400, %add3A_402 : vector<2048x512xf32>
    %slice3A_404 = vector.extract_strided_slice %add3A_403 {offsets = [0, 0], sizes = [2048, 128], strides = [1, 1]} : vector<2048x512xf32> to vector<2048x128xf32>
    %lt3A_405 = arith.cmpf olt, %slice3A_404, %select_n3A_392 : vector<2048x128xf32>
    %select_n3A_406 = arith.select %lt3A_405, %slice3A_404, %select_n3A_392 : vector<2048x128xi1>, vector<2048x128xf32>
    %jit3A_407 = arith.constant 16 : i32
    %broadcast_in_dim3A_408 = vector.broadcast %jit3A_407 : i32 to vector<2048x128xi32>
    %select_n3A_409 = arith.select %lt3A_405, %broadcast_in_dim3A_408, %select_n3A_395 : vector<2048x128xi1>, vector<2048x128xi32>
    %slice3A_410 = vector.extract_strided_slice %add3A_403 {offsets = [0, 128], sizes = [2048, 128], strides = [1, 1]} : vector<2048x512xf32> to vector<2048x128xf32>
    %lt3A_411 = arith.cmpf olt, %slice3A_410, %select_n3A_406 : vector<2048x128xf32>
    %select_n3A_412 = arith.select %lt3A_411, %slice3A_410, %select_n3A_406 : vector<2048x128xi1>, vector<2048x128xf32>
    %jit3A_413 = arith.constant 17 : i32
    %broadcast_in_dim3A_414 = vector.broadcast %jit3A_413 : i32 to vector<2048x128xi32>
    %select_n3A_415 = arith.select %lt3A_411, %broadcast_in_dim3A_414, %select_n3A_409 : vector<2048x128xi1>, vector<2048x128xi32>
    %slice3A_416 = vector.extract_strided_slice %add3A_403 {offsets = [0, 256], sizes = [2048, 128], strides = [1, 1]} : vector<2048x512xf32> to vector<2048x128xf32>
    %lt3A_417 = arith.cmpf olt, %slice3A_416, %select_n3A_412 : vector<2048x128xf32>
    %select_n3A_418 = arith.select %lt3A_417, %slice3A_416, %select_n3A_412 : vector<2048x128xi1>, vector<2048x128xf32>
    %jit3A_419 = arith.constant 18 : i32
    %broadcast_in_dim3A_420 = vector.broadcast %jit3A_419 : i32 to vector<2048x128xi32>
    %select_n3A_421 = arith.select %lt3A_417, %broadcast_in_dim3A_420, %select_n3A_415 : vector<2048x128xi1>, vector<2048x128xi32>
    %slice3A_422 = vector.extract_strided_slice %add3A_403 {offsets = [0, 384], sizes = [2048, 128], strides = [1, 1]} : vector<2048x512xf32> to vector<2048x128xf32>
    %lt3A_423 = arith.cmpf olt, %slice3A_422, %select_n3A_418 : vector<2048x128xf32>
    %select_n3A_424 = arith.select %lt3A_423, %slice3A_422, %select_n3A_418 : vector<2048x128xi1>, vector<2048x128xf32>
    %jit3A_425 = arith.constant 19 : i32
    %broadcast_in_dim3A_426 = vector.broadcast %jit3A_425 : i32 to vector<2048x128xi32>
    %select_n3A_427 = arith.select %lt3A_423, %broadcast_in_dim3A_426, %select_n3A_421 : vector<2048x128xi1>, vector<2048x128xi32>
    %slice3A_428 = vector.extract_strided_slice %get3A_4 {offsets = [0, 6656], sizes = [32, 512], strides = [1, 1]} : vector<32x8192xf32> to vector<32x512xf32>
    %dot_general3A_429 = arith.constant dense<0.000000e+00> : vector<2048x512xf32>
    %dot_general3A_430 = tpu.matmul %get3A_1, %slice3A_428, %dot_general3A_429 {dimension_numbers = #tpu.dot_dimension_numbers<[1], [0], [0], [1], [0, 0, 1, 1], [], []>, transpose_lhs_hint = false} : vector<2048x32xf32>, vector<32x512xf32>, vector<2048x512xf32> -> vector<2048x512xf32>
    %add3A_431 = vector.broadcast %get3A_7 : vector<2048x1xf32> to vector<2048x512xf32>
    %add3A_432 = arith.addf %add3A_431, %dot_general3A_430 : vector<2048x512xf32>
    %slice3A_433 = vector.extract_strided_slice %get3A_10 {offsets = [0, 6656], sizes = [1, 512], strides = [1, 1]} : vector<1x8192xf32> to vector<1x512xf32>
    %add3A_434 = vector.broadcast %slice3A_433 : vector<1x512xf32> to vector<2048x512xf32>
    %add3A_435 = arith.addf %add3A_432, %add3A_434 : vector<2048x512xf32>
    %slice3A_436 = vector.extract_strided_slice %add3A_435 {offsets = [0, 0], sizes = [2048, 128], strides = [1, 1]} : vector<2048x512xf32> to vector<2048x128xf32>
    %lt3A_437 = arith.cmpf olt, %slice3A_436, %select_n3A_424 : vector<2048x128xf32>
    %select_n3A_438 = arith.select %lt3A_437, %slice3A_436, %select_n3A_424 : vector<2048x128xi1>, vector<2048x128xf32>
    %jit3A_439 = arith.constant 20 : i32
    %broadcast_in_dim3A_440 = vector.broadcast %jit3A_439 : i32 to vector<2048x128xi32>
    %select_n3A_441 = arith.select %lt3A_437, %broadcast_in_dim3A_440, %select_n3A_427 : vector<2048x128xi1>, vector<2048x128xi32>
    %slice3A_442 = vector.extract_strided_slice %add3A_435 {offsets = [0, 128], sizes = [2048, 128], strides = [1, 1]} : vector<2048x512xf32> to vector<2048x128xf32>
    %lt3A_443 = arith.cmpf olt, %slice3A_442, %select_n3A_438 : vector<2048x128xf32>
    %select_n3A_444 = arith.select %lt3A_443, %slice3A_442, %select_n3A_438 : vector<2048x128xi1>, vector<2048x128xf32>
    %jit3A_445 = arith.constant 21 : i32
    %broadcast_in_dim3A_446 = vector.broadcast %jit3A_445 : i32 to vector<2048x128xi32>
    %select_n3A_447 = arith.select %lt3A_443, %broadcast_in_dim3A_446, %select_n3A_441 : vector<2048x128xi1>, vector<2048x128xi32>
    %slice3A_448 = vector.extract_strided_slice %add3A_435 {offsets = [0, 256], sizes = [2048, 128], strides = [1, 1]} : vector<2048x512xf32> to vector<2048x128xf32>
    %lt3A_449 = arith.cmpf olt, %slice3A_448, %select_n3A_444 : vector<2048x128xf32>
    %select_n3A_450 = arith.select %lt3A_449, %slice3A_448, %select_n3A_444 : vector<2048x128xi1>, vector<2048x128xf32>
    %jit3A_451 = arith.constant 22 : i32
    %broadcast_in_dim3A_452 = vector.broadcast %jit3A_451 : i32 to vector<2048x128xi32>
    %select_n3A_453 = arith.select %lt3A_449, %broadcast_in_dim3A_452, %select_n3A_447 : vector<2048x128xi1>, vector<2048x128xi32>
    %slice3A_454 = vector.extract_strided_slice %add3A_435 {offsets = [0, 384], sizes = [2048, 128], strides = [1, 1]} : vector<2048x512xf32> to vector<2048x128xf32>
    %lt3A_455 = arith.cmpf olt, %slice3A_454, %select_n3A_450 : vector<2048x128xf32>
    %select_n3A_456 = arith.select %lt3A_455, %slice3A_454, %select_n3A_450 : vector<2048x128xi1>, vector<2048x128xf32>
    %jit3A_457 = arith.constant 23 : i32
    %broadcast_in_dim3A_458 = vector.broadcast %jit3A_457 : i32 to vector<2048x128xi32>
    %select_n3A_459 = arith.select %lt3A_455, %broadcast_in_dim3A_458, %select_n3A_453 : vector<2048x128xi1>, vector<2048x128xi32>
    %slice3A_460 = vector.extract_strided_slice %get3A_4 {offsets = [0, 7168], sizes = [32, 512], strides = [1, 1]} : vector<32x8192xf32> to vector<32x512xf32>
    %dot_general3A_461 = arith.constant dense<0.000000e+00> : vector<2048x512xf32>
    %dot_general3A_462 = tpu.matmul %get3A_1, %slice3A_460, %dot_general3A_461 {dimension_numbers = #tpu.dot_dimension_numbers<[1], [0], [0], [1], [0, 0, 1, 1], [], []>, transpose_lhs_hint = false} : vector<2048x32xf32>, vector<32x512xf32>, vector<2048x512xf32> -> vector<2048x512xf32>
    %add3A_463 = vector.broadcast %get3A_7 : vector<2048x1xf32> to vector<2048x512xf32>
    %add3A_464 = arith.addf %add3A_463, %dot_general3A_462 : vector<2048x512xf32>
    %slice3A_465 = vector.extract_strided_slice %get3A_10 {offsets = [0, 7168], sizes = [1, 512], strides = [1, 1]} : vector<1x8192xf32> to vector<1x512xf32>
    %add3A_466 = vector.broadcast %slice3A_465 : vector<1x512xf32> to vector<2048x512xf32>
    %add3A_467 = arith.addf %add3A_464, %add3A_466 : vector<2048x512xf32>
    %slice3A_468 = vector.extract_strided_slice %add3A_467 {offsets = [0, 0], sizes = [2048, 128], strides = [1, 1]} : vector<2048x512xf32> to vector<2048x128xf32>
    %lt3A_469 = arith.cmpf olt, %slice3A_468, %select_n3A_456 : vector<2048x128xf32>
    %select_n3A_470 = arith.select %lt3A_469, %slice3A_468, %select_n3A_456 : vector<2048x128xi1>, vector<2048x128xf32>
    %jit3A_471 = arith.constant 24 : i32
    %broadcast_in_dim3A_472 = vector.broadcast %jit3A_471 : i32 to vector<2048x128xi32>
    %select_n3A_473 = arith.select %lt3A_469, %broadcast_in_dim3A_472, %select_n3A_459 : vector<2048x128xi1>, vector<2048x128xi32>
    %slice3A_474 = vector.extract_strided_slice %add3A_467 {offsets = [0, 128], sizes = [2048, 128], strides = [1, 1]} : vector<2048x512xf32> to vector<2048x128xf32>
    %lt3A_475 = arith.cmpf olt, %slice3A_474, %select_n3A_470 : vector<2048x128xf32>
    %select_n3A_476 = arith.select %lt3A_475, %slice3A_474, %select_n3A_470 : vector<2048x128xi1>, vector<2048x128xf32>
    %jit3A_477 = arith.constant 25 : i32
    %broadcast_in_dim3A_478 = vector.broadcast %jit3A_477 : i32 to vector<2048x128xi32>
    %select_n3A_479 = arith.select %lt3A_475, %broadcast_in_dim3A_478, %select_n3A_473 : vector<2048x128xi1>, vector<2048x128xi32>
    %slice3A_480 = vector.extract_strided_slice %add3A_467 {offsets = [0, 256], sizes = [2048, 128], strides = [1, 1]} : vector<2048x512xf32> to vector<2048x128xf32>
    %lt3A_481 = arith.cmpf olt, %slice3A_480, %select_n3A_476 : vector<2048x128xf32>
    %select_n3A_482 = arith.select %lt3A_481, %slice3A_480, %select_n3A_476 : vector<2048x128xi1>, vector<2048x128xf32>
    %jit3A_483 = arith.constant 26 : i32
    %broadcast_in_dim3A_484 = vector.broadcast %jit3A_483 : i32 to vector<2048x128xi32>
    %select_n3A_485 = arith.select %lt3A_481, %broadcast_in_dim3A_484, %select_n3A_479 : vector<2048x128xi1>, vector<2048x128xi32>
    %slice3A_486 = vector.extract_strided_slice %add3A_467 {offsets = [0, 384], sizes = [2048, 128], strides = [1, 1]} : vector<2048x512xf32> to vector<2048x128xf32>
    %lt3A_487 = arith.cmpf olt, %slice3A_486, %select_n3A_482 : vector<2048x128xf32>
    %select_n3A_488 = arith.select %lt3A_487, %slice3A_486, %select_n3A_482 : vector<2048x128xi1>, vector<2048x128xf32>
    %jit3A_489 = arith.constant 27 : i32
    %broadcast_in_dim3A_490 = vector.broadcast %jit3A_489 : i32 to vector<2048x128xi32>
    %select_n3A_491 = arith.select %lt3A_487, %broadcast_in_dim3A_490, %select_n3A_485 : vector<2048x128xi1>, vector<2048x128xi32>
    %slice3A_492 = vector.extract_strided_slice %get3A_4 {offsets = [0, 7680], sizes = [32, 512], strides = [1, 1]} : vector<32x8192xf32> to vector<32x512xf32>
    %dot_general3A_493 = arith.constant dense<0.000000e+00> : vector<2048x512xf32>
    %dot_general3A_494 = tpu.matmul %get3A_1, %slice3A_492, %dot_general3A_493 {dimension_numbers = #tpu.dot_dimension_numbers<[1], [0], [0], [1], [0, 0, 1, 1], [], []>, transpose_lhs_hint = false} : vector<2048x32xf32>, vector<32x512xf32>, vector<2048x512xf32> -> vector<2048x512xf32>
    %add3A_495 = vector.broadcast %get3A_7 : vector<2048x1xf32> to vector<2048x512xf32>
    %add3A_496 = arith.addf %add3A_495, %dot_general3A_494 : vector<2048x512xf32>
    %slice3A_497 = vector.extract_strided_slice %get3A_10 {offsets = [0, 7680], sizes = [1, 512], strides = [1, 1]} : vector<1x8192xf32> to vector<1x512xf32>
    %add3A_498 = vector.broadcast %slice3A_497 : vector<1x512xf32> to vector<2048x512xf32>
    %add3A_499 = arith.addf %add3A_496, %add3A_498 : vector<2048x512xf32>
    %slice3A_500 = vector.extract_strided_slice %add3A_499 {offsets = [0, 0], sizes = [2048, 128], strides = [1, 1]} : vector<2048x512xf32> to vector<2048x128xf32>
    %lt3A_501 = arith.cmpf olt, %slice3A_500, %select_n3A_488 : vector<2048x128xf32>
    %select_n3A_502 = arith.select %lt3A_501, %slice3A_500, %select_n3A_488 : vector<2048x128xi1>, vector<2048x128xf32>
    %jit3A_503 = arith.constant 28 : i32
    %broadcast_in_dim3A_504 = vector.broadcast %jit3A_503 : i32 to vector<2048x128xi32>
    %select_n3A_505 = arith.select %lt3A_501, %broadcast_in_dim3A_504, %select_n3A_491 : vector<2048x128xi1>, vector<2048x128xi32>
    %slice3A_506 = vector.extract_strided_slice %add3A_499 {offsets = [0, 128], sizes = [2048, 128], strides = [1, 1]} : vector<2048x512xf32> to vector<2048x128xf32>
    %lt3A_507 = arith.cmpf olt, %slice3A_506, %select_n3A_502 : vector<2048x128xf32>
    %select_n3A_508 = arith.select %lt3A_507, %slice3A_506, %select_n3A_502 : vector<2048x128xi1>, vector<2048x128xf32>
    %jit3A_509 = arith.constant 29 : i32
    %broadcast_in_dim3A_510 = vector.broadcast %jit3A_509 : i32 to vector<2048x128xi32>
    %select_n3A_511 = arith.select %lt3A_507, %broadcast_in_dim3A_510, %select_n3A_505 : vector<2048x128xi1>, vector<2048x128xi32>
    %slice3A_512 = vector.extract_strided_slice %add3A_499 {offsets = [0, 256], sizes = [2048, 128], strides = [1, 1]} : vector<2048x512xf32> to vector<2048x128xf32>
    %lt3A_513 = arith.cmpf olt, %slice3A_512, %select_n3A_508 : vector<2048x128xf32>
    %select_n3A_514 = arith.select %lt3A_513, %slice3A_512, %select_n3A_508 : vector<2048x128xi1>, vector<2048x128xf32>
    %jit3A_515 = arith.constant 30 : i32
    %broadcast_in_dim3A_516 = vector.broadcast %jit3A_515 : i32 to vector<2048x128xi32>
    %select_n3A_517 = arith.select %lt3A_513, %broadcast_in_dim3A_516, %select_n3A_511 : vector<2048x128xi1>, vector<2048x128xi32>
    %slice3A_518 = vector.extract_strided_slice %add3A_499 {offsets = [0, 384], sizes = [2048, 128], strides = [1, 1]} : vector<2048x512xf32> to vector<2048x128xf32>
    %lt3A_519 = arith.cmpf olt, %slice3A_518, %select_n3A_514 : vector<2048x128xf32>
    %select_n3A_520 = arith.select %lt3A_519, %slice3A_518, %select_n3A_514 : vector<2048x128xi1>, vector<2048x128xf32>
    %jit3A_521 = arith.constant 31 : i32
    %broadcast_in_dim3A_522 = vector.broadcast %jit3A_521 : i32 to vector<2048x128xi32>
    %select_n3A_523 = arith.select %lt3A_519, %broadcast_in_dim3A_522, %select_n3A_517 : vector<2048x128xi1>, vector<2048x128xi32>
    %iota3A_524 = tpu.iota {dimensions = array<i32: 1>} : vector<2048x128xi32>
    %mul3A_525 = arith.constant 128 : i32
    %mul3A_526 = vector.broadcast %mul3A_525 : i32 to vector<2048x128xi32>
    %mul3A_527 = arith.muli %select_n3A_523, %mul3A_526 : vector<2048x128xi32>
    %add3A_528 = arith.constant 4096 : i32
    %add3A_529 = vector.broadcast %add3A_528 : i32 to vector<2048x128xi32>
    %add3A_530 = arith.addi %add3A_529, %mul3A_527 : vector<2048x128xi32>
    %add3A_531 = arith.addi %add3A_530, %iota3A_524 : vector<2048x128xi32>
    %reduce_min3A_532 = arith.constant dense<0x7F800000> : vector<2048xf32>
    %reduce_min3A_533 = vector.multi_reduction <minimumf>, %select_n3A_520, %reduce_min3A_532 [1] : vector<2048x128xf32> to vector<2048xf32>
    %broadcast_in_dim3A_534 = vector.shape_cast %reduce_min3A_533 : vector<2048xf32> to vector<2048x1xf32>
    %eq3A_535 = vector.broadcast %broadcast_in_dim3A_534 : vector<2048x1xf32> to vector<2048x128xf32>
    %eq3A_536 = arith.cmpf oeq, %select_n3A_520, %eq3A_535 : vector<2048x128xf32>
    %jit3A_537 = arith.constant 8192 : i32
    %broadcast_in_dim3A_538 = vector.broadcast %jit3A_537 : i32 to vector<2048x128xi32>
    %select_n3A_539 = arith.select %eq3A_536, %add3A_531, %broadcast_in_dim3A_538 : vector<2048x128xi1>, vector<2048x128xi32>
    %reduce_min3A_540 = arith.constant dense<2147483647> : vector<2048xi32>
    %reduce_min3A_541 = vector.multi_reduction <minsi>, %select_n3A_539, %reduce_min3A_540 [1] : vector<2048x128xi32> to vector<2048xi32>
    %squeeze3A_542 = vector.shape_cast %broadcast_in_dim3A_534 : vector<2048x1xf32> to vector<2048xf32>
    %bitcast_convert_type3A = tpu.bitcast %squeeze3A : vector<2048xf32> -> vector<2048xi32>
    %shift_right_logical3A = arith.constant 16 : i32
    %shift_right_logical3A_543 = vector.broadcast %shift_right_logical3A : i32 to vector<2048xi32>
    %shift_right_logical3A_544 = arith.shrui %bitcast_convert_type3A, %shift_right_logical3A_543 : vector<2048xi32>
    %and3A = arith.constant 1 : i32
    %and3A_545 = vector.broadcast %and3A : i32 to vector<2048xi32>
    %and3A_546 = arith.andi %shift_right_logical3A_544, %and3A_545 : vector<2048xi32>
    %add3A_547 = arith.constant 32767 : i32
    %add3A_548 = vector.broadcast %add3A_547 : i32 to vector<2048xi32>
    %add3A_549 = arith.addi %bitcast_convert_type3A, %add3A_548 : vector<2048xi32>
    %add3A_550 = arith.addi %add3A_549, %and3A_546 : vector<2048xi32>
    %and3A_551 = arith.constant -65536 : i32
    %and3A_552 = vector.broadcast %and3A_551 : i32 to vector<2048xi32>
    %and3A_553 = arith.andi %add3A_550, %and3A_552 : vector<2048xi32>
    %bitcast_convert_type3A_554 = tpu.bitcast %and3A_553 : vector<2048xi32> -> vector<2048xf32>
    %lt3A_555 = arith.cmpf olt, %squeeze3A_542, %bitcast_convert_type3A_554 : vector<2048xf32>
    %eq3A_556 = arith.cmpf oeq, %squeeze3A_542, %bitcast_convert_type3A_554 : vector<2048xf32>
    %lt3A_557 = arith.cmpi slt, %reduce_min3A_541, %reduce_min3A_270 : vector<2048xi32>
    %and3A_558 = arith.andi %eq3A_556, %lt3A_557 : vector<2048xi1>
    %or3A = arith.ori %lt3A_555, %and3A_558 : vector<2048xi1>
    %select_n3A_559 = arith.select %or3A, %reduce_min3A_541, %reduce_min3A_270 : vector<2048xi1>, vector<2048xi32>
    %swap3A = arith.constant 0 : index
    %swap3A_560 = vector.load %arg5[%swap3A] : memref<2048xi32, #tpu.memory_space<vmem>>, vector<2048xi32>
    tpu.vector_store %arg5[%swap3A], %select_n3A_559 {strides = array<i32>} : memref<2048xi32, #tpu.memory_space<vmem>>, vector<2048xi32>,
    return
  }
  func.func @transform_0(%arg0: i32) -> (i32, i32) {
    %c0_i32 = arith.constant 0 : i32
    %c0_i32_0 = arith.constant 0 : i32
    return %arg0, %c0_i32 : i32, i32
  }
  func.func @transform_1(%arg0: i32) -> (i32, i32) {
    %c0_i32 = arith.constant 0 : i32
    %c0_i32_0 = arith.constant 0 : i32
    %c0_i32_1 = arith.constant 0 : i32
    return %c0_i32, %c0_i32_0 : i32, i32
  }
  func.func @transform_2(%arg0: i32) -> (i32, i32) {
    %c0_i32 = arith.constant 0 : i32
    %c0_i32_0 = arith.constant 0 : i32
    return %arg0, %c0_i32 : i32, i32
  }
  func.func @transform_3(%arg0: i32) -> (i32, i32) {
    %c0_i32 = arith.constant 0 : i32
    %c0_i32_0 = arith.constant 0 : i32
    %c0_i32_1 = arith.constant 0 : i32
    return %c0_i32, %c0_i32_0 : i32, i32
  }
  func.func @transform_4(%arg0: i32) -> i32 {
    %c0_i32 = arith.constant 0 : i32
    return %arg0 : i32
  }
}

</mosaic_0001>

<sc_bundles>
// kernel: kernel.4.cloned.1.call-start
scs
__scs_entry_jumppad:
0x0: {  	(pc) =	sbr.rel $0x88, $3  }
0x1: {  	(tag) =	ssettag $0x0;
	lr =	simm.s32 $0x1  }
0x2: {  	[smem:$0x3F9F] =	sst lr;
	_ =	strace $0xD0000000  }
0x3: {  	_ = 	snop  }
0x4: {  	_ = 	snop  }
0x5: {  	_ = 	snop  }
0x6: {  	_ = 	snop  }
0x7: {  	_ = 	snop  }
__scs_overlays_trampoline_lowered:
0x8: {  	[smem:$0x3FAE] =	sst s0  }
0x9: {  	[smem:$0x3FAF] =	sst s1  }
0xa: {  	[smem:$0x3FB0] =	sst s2  }
0xb: {  	[smem:$0x3FB1] =	sst s3  }
0xc: {  	[smem:$0x3FB2] =	sst s4  }
0xd: {  	[smem:$0x3FB3] =	sst s5  }
0xe: {  	[smem:$0x3FB4] =	sst s6  }
0xf: {  	[smem:$0x3FB5] =	sst s7  }
0x10: {  	[smem:$0x3FB6] =	sst s8  }
0x11: {  	[smem:$0x3FB7] =	sst s9;
	s0 =	simm.s32 @!p0 $0x0  }
0x12: {  	s1 =	sld [smem:$0x3F9D];
	s0 =	simm.s32 @p0 $0x1  }
0x13: {  	[smem:$0x3FB8] =	sst s0;
	s0 =	simm.s32 @!p1 $0x0  }
0x14: {  	s2 =	sld [smem:$0x3F9C];
	s0 =	simm.s32 @p1 $0x1  }
0x15: {  	[smem:$0x3FB9] =	sst s0;
	s0 =	simm.s32 @!p2 $0x0  }
0x16: {  	s3 =	sld [smem:$0x3FDB];
	s0 =	simm.s32 @p2 $0x1  }
0x17: {  	s4 =	simm.s32 $0x1BF5;
	[smem:$0x3FBB] =	sst s0  }
0x18: {  	s0 =	sld [smem:$0x3F9E];
	_ =	swait.ge [sflag:s4], $0x0  }
0x19: {  	s7 =	sld [smem:$0x3F9F]  }
0x1a: {  	s8 =	sadd.s32 $0xFFFFE003, lr  }
0x1b: {  	s9 =	sadd.s32 $0xFFFFFEF7, lr;
	s5 =	simm.s32 $0xFFFFFFFF;
	p2 =	slt.u32 s8, $0xFFFFF086  }
0x1c: {  	p1 =	slt.u32 s9, $0xF7A;
	s5 =	simm.s32 @!p2 $0x0  }
0x1d: {  	s5 =	simm.s32 @p1 $0x1;
	p0 =	seq.s32 s7, s2  }
0x1e: {  	s7 =	smul.u32 @!p0 $0xF7A, s2;
	p2 =	seq.s32 @!p0 s5, $0x0  }
0x1f: {  	s9 =	smul.u32 $0xF7A, s1;
	s8 =	simm.s32 @!p0 $0x1BF5;
	p2 =	por !p2, p0  }
0x20: {  	[sflag:s8] =	ssyncset.s32 @!p0 $0xFFFFF086;
	s6 =	sadd.s32 @!p0 s3, s7;
	s7 =	simm.s32 @!p0 $0x108  }
0x21: {  	s3 =	sadd.s32 s3, s9;
	s6 =	sadd.s32 @!p0 $0x88, s6;
	s7 =	simm.s32 @p2 $0x1082  }
0x22: {  	[simem:s7], [sflag:s8] =	dma.local @!p0 [hbm:s6], $0xF7A  }
0x23: {  	s9 =	sor.u32 $0xD0000000, s2;
	s6 =	simm.s32 $0x108;
	_ =	swait.ge @!p0 [sflag:s8], $0x0  }
0x24: {  	s3 =	sadd.s32 $0x88, s3;
	s6 =	simm.s32 @!p1 $0x1082;
	[sflag:s4] =	ssyncset.s32 $0xFFFFF086  }
0x25: {  	[simem:s6], [sflag:s4] =	dma.local [hbm:s3], $0xF7A  }
0x26: {  	[smem:$0x3F9F] =	sst s1;
	(tag) =	ssettag s2;
	_ =	strace s9  }
0x27: {  	s1 =	sld [smem:$0x3FAF]  }
0x28: {  	s2 =	sld [smem:$0x3FB0]  }
0x29: {  	s4 =	sld [smem:$0x3FB2]  }
0x2a: {  	p0 =	seq.s32 s5, $0x0;
	s5 =	sld [smem:$0x3FB3]  }
0x2b: {  	s6 =	sld [smem:$0x3FB4]  }
0x2c: {  	s7 =	sld [smem:$0x3FB5]  }
0x2d: {  	s3 =	simm.s32 $0x108;
	s8 =	sld [smem:$0x3FB6]  }
0x2e: {  	s3 =	simm.s32 @!p0 $0x1082;
	s9 =	sld [smem:$0x3FB7]  }
0x2f: {  	lr =	sadd.s32 s0, s3;
	s0 =	sld [smem:$0x3FAE]  }
0x30: {  	s3 =	sld [smem:$0x3FB1]  }
0x31: {  	[smem:$0x3FBA] =	sst s10  }
0x32: {  	s10 =	sld [smem:$0x3FB8];
	_ =	sdelay $0x3  }
0x33: {  	p0 =	seq.s32 s10, $0x1;
	s10 =	sld [smem:$0x3FBA];
	_ =	sdelay $0x3  }
0x34: {  	[smem:$0x3FBA] =	sst s10  }
0x35: {  	s10 =	sld [smem:$0x3FB9];
	_ =	sdelay $0x3  }
0x36: {  	p1 =	seq.s32 s10, $0x1;
	s10 =	sld [smem:$0x3FBA];
	_ =	sdelay $0x3  }
0x37: {  	[smem:$0x3FBA] =	sst s10  }
0x38: {  	s10 =	sld [smem:$0x3FBB]  }
0x39: {  	_ = 	snop;
	(pc) =	sbr.ind lr, $3  }
0x3a: {  	_ = 	snop  }
0x3b: {  	_ = 	snop  }
0x3c: {  	p2 =	seq.s32 s10, $0x1;
	s10 =	sld [smem:$0x3FBA]  }
0x3d: {  	_ =	shalt  }
0x3e: {  	_ =	shalt  }
0x3f: {  	_ =	shalt  }
0x40: {  	_ =	shalt  }
0x41: {  	_ =	shalt  }
0x42: {  	_ =	shalt  }
0x43: {  	_ =	shalt  }
0x44: {  	_ =	shalt  }
0x45: {  	_ =	shalt  }
0x46: {  	_ =	shalt  }
0x47: {  	_ =	shalt  }
0x48: {  	_ =	shalt  }
0x49: {  	_ =	shalt  }
0x4a: {  	_ =	shalt  }
0x4b: {  	_ =	shalt  }
0x4c: {  	_ =	shalt  }
0x4d: {  	_ =	shalt  }
0x4e: {  	_ =	shalt  }
0x4f: {  	_ =	shalt  }
0x50: {  	_ =	shalt  }
0x51: {  	_ =	shalt  }
0x52: {  	_ =	shalt  }
0x53: {  	_ =	shalt  }
0x54: {  	_ =	shalt  }
0x55: {  	_ =	shalt  }
0x56: {  	_ =	shalt  }
0x57: {  	_ =	shalt  }
0x58: {  	_ =	shalt  }
0x59: {  	_ =	shalt  }
0x5a: {  	_ =	shalt  }
0x5b: {  	_ =	shalt  }
0x5c: {  	_ =	shalt  }
0x5d: {  	_ =	shalt  }
0x5e: {  	_ =	shalt  }
0x5f: {  	_ =	shalt  }
0x60: {  	_ =	shalt  }
0x61: {  	_ =	shalt  }
0x62: {  	_ =	shalt  }
0x63: {  	_ =	shalt  }
0x64: {  	_ =	shalt  }
0x65: {  	_ =	shalt  }
0x66: {  	_ =	shalt  }
0x67: {  	_ =	shalt  }
0x68: {  	_ =	shalt  }
0x69: {  	_ =	shalt  }
0x6a: {  	_ =	shalt  }
0x6b: {  	_ =	shalt  }
0x6c: {  	_ =	shalt  }
0x6d: {  	_ =	shalt  }
0x6e: {  	_ =	shalt  }
0x6f: {  	_ =	shalt  }
0x70: {  	_ =	shalt  }
0x71: {  	_ =	shalt  }
0x72: {  	_ =	shalt  }
0x73: {  	_ =	shalt  }
0x74: {  	_ =	shalt  }
0x75: {  	_ =	shalt  }
0x76: {  	_ =	shalt  }
0x77: {  	_ =	shalt  }
0x78: {  	_ =	shalt  }
0x79: {  	_ =	shalt  }
0x7a: {  	_ =	shalt  }
0x7b: {  	_ =	shalt  }
0x7c: {  	_ =	shalt  }
0x7d: {  	_ =	shalt  }
0x7e: {  	_ =	shalt  }
0x7f: {  	_ =	shalt  }
0x80: {  	_ =	shalt  }
0x81: {  	_ =	shalt  }
0x82: {  	_ =	shalt  }
0x83: {  	_ =	shalt  }
0x84: {  	_ =	shalt  }
0x85: {  	_ =	shalt  }
0x86: {  	_ =	shalt  }
0x87: {  	_ =	shalt  }
.Lfunc_end0:
.L_simem_size_0:
called_computation_lowered:
.L_overlay_start_0:
0x88: {  	s2 =	sld [smem:$0x3FD9]  }
0x89: {  	s3 =	sld [smem:$0x3FFE];
	_ =	sdelay $0x1  }
0x8a: {  	s1 =	srdreg.scid  }
0x8b: {  	s0 =	sand.u32 $0x1, s1  }
0x8c: {  	s14 =	sshll.u32 s0, $0xA;
	s2 =	sadd.s32 s3, s2  }
0x8d: {  	s2 =	sadd.s32 s2, s14  }
0x8e: {  	[smem:$0x3FC6] =	sst s2  }
0x8f: {  	_ = 	snop  }
0x90: {  	s2 =	sld [smem:$0x3FD0];
	_ =	sdelay $0x2  }
0x91: {  	s15 =	simm.s32 $0xA;
	s4 =	simm.s32 $0x10  }
0x92: {  	[smem:s4], [sflag:s15] =	dma.local [hbm:s2], $0x1  }
0x93: {  	_ =	swait.eq [sflag:s15], $0x1  }
0x94: {  	[sflag:s15] =	ssyncset.done $0x0  }
0x95: {  	[sflag:s15] =	ssyncadd.s32 $0xFFFFFFFF  }
0x96: {  	s16 =	sld [smem:$0x12];
	(tm) =	ssettm $0x1  }
0x97: {  	s17 =	sld [smem:$0x3FFB];
	_ =	sdelay $0x3  }
0x98: {  	_ =	strace s17  }
0x99: {  	s3 =	sld [smem:$0x3FFC];
	_ =	sdelay $0x3  }
0x9a: {  	_ =	strace s3  }
0x9b: {  	s3 =	sld [smem:$0x3FFD];
	_ =	sdelay $0x3  }
0x9c: {  	_ =	strace s3  }
0x9d: {  	_ =	strace $0x8FFFFFFF  }
0x9e: {  	s18 =	sld [smem:$0x3FDB];
	_ =	sdelay $0x1  }
0x9f: {  	s19 =	simm.s32 $_scs_section_size  }
0xa0: {  	s5 =	simm.s32 $_size__tile_overlayer_lowered;
	s6 =	simm.s32 $_tile_overlayer_lowered  }
0xa1: {  	s22 =	simm.s32 $0x1BFF;
	s21 =	sshll.u32 s6, $0x1;
	s3 =	sadd.s32 s19, s18  }
0xa2: {  	s7 =	simm.s32 $0x0;
	s20 =	sshll.u32 s5, $0x1;
	s5 =	sadd.s32 s21, s3  }
0xa3: {  	[timem:s7], [sflag:s22] =	dma.local [hbm:s5], s20  }
0xa4: {  	_ =	swait.ge [sflag:s22], s20  }
0xa5: {  	s4 =	ssub.s32 $0x0, s20;
	[sflag:s22] =	ssyncset.done $0x0  }
0xa6: {  	[sflag:s22] =	ssyncadd.s32 s4;
	_ =	sdelay $0x1  }
0xa7: {  	s23 =	simm.s32 $0x1B8B  }
0xa8: {  	_ =	swait.ge [sflag:s23], $0x1  }
0xa9: {  	[sflag:s23] =	ssyncset.done $0x0  }
0xaa: {  	s25 =	simm.s32 $0x1B8E;
	s24 =	sld [smem:$0x3FFE];
	[sflag:s23] =	ssyncadd.s32 $0xFFFFFFFF  }
0xab: {  	s26 =	simm.s32 $execute0_lowered;
	[smem:$0x3FD2] =	sst s25  }
0xac: {  	s5 =	sshll.u32 s26, $0x1;
	_ =	strace $0x80000046;
	[dreg:$0x1] =	wrdreg $0xFFFFFFFF  }
0xad: {  	s28 =	simm.s32 $_size_execute0_lowered;
	s3 =	sadd.s32 s3, s5;
	[dreg:$0x0] =	wrdreg $0x0  }
0xae: {  	s5 =	sshll.u32 s28, $0x1;
	[dreg:$0x2] =	wrdreg s3  }
0xaf: {  	[dreg:$0x3] =	wrdreg s5  }
0xb0: {  	[dreg:$0x4] =	wrdreg $0xC0  }
0xb1: {  	_ =	task [dreg:s7], $0x5FFFF  }
0xb2: {  	[dreg:$0x1] =	wrdreg $0xFFFFFFFF  }
0xb3: {  	[dreg:$0x0] =	wrdreg $0x60  }
0xb4: {  	[dreg:$0x2] =	wrdreg s24  }
0xb5: {  	[dreg:$0x3] =	wrdreg s16  }
0xb6: {  	[dreg:$0x4] =	wrdreg $0x9  }
0xb7: {  	_ =	task.clear_ibuf [dreg:s7], $0x5FFFF;
	_ =	strace $0x90000046  }
0xb8: {  	s29 =	simm.s32 $0x9;
	_ =	strace $0x80000048  }
0xb9: {  	_ =	swait.ge [sflag:s29], $0x1  }
0xba: {  	[sflag:s29] =	ssyncadd.s32 $0xFFFFFFFF  }
0xbb: {  	_ =	strace $0x90000048  }
0xbc: {  	_ =	sfence  }
0xbd: {  	s30 =	sld [smem:$0x0];
	_ =	sdelay $0x2  }
0xbe: {  	s31 =	sshll.u32 s1, $0xD;
	s1 =	sshrl.u32 s1, $0x2  }
0xbf: {  	s3 =	sand.u32 $0x4000, s31;
	s1 =	sadd.s32 s1, s30  }
0xc0: {  	s0 =	sor.u32 s3, s0;
	s1 =	sshll.u32 s1, $0x11  }
0xc1: {  	s0 =	sor.u32 s1, s0  }
0xc2: {  	s0 =	sadd.s32 $0x8F2B, s0  }
0xc3: {  	[sflag:s0] =	ssyncadd.remote.s32 $0x1  }
0xc4: {  	_ =	sfence.sel $0xFFFF  }
0xc5: {  	[dreg:$0x0] =	wrdreg $0xFFFFFFFF;
	(pc) =	sbr.abs _section_cstart, $3  }
0xc6: {  	[dreg:$0x1] =	wrdreg $0xFFFFFFFF  }
0xc7: {  	_ =	task.clear_ibuf [dreg:s7], $0x2FFFF;
	_ =	strace $0x9FFFFFFF  }
0xc8: {  	(tm) =	ssettm $0x7FFFFFFF  }
0xc9: {  	_ =	shalt  }
tec
execute0_lowered:
.L_overlay_start_1:
0x0: {  	(tag) =	ssettag $0x1  }
0x1: {  	s14 =	rddreg [dreg:$0x0]  }
0x2: {  	s7 =	rddreg [dreg:$0x1]  }
0x3: {  	s2 =	simm.s32 $0x0;
	s3 =	srdreg.scid;
	s1 =	stileid.u32  }
0x4: {  	s20 =	simm.s32 $0x100;
	s21 =	simm.s32 $0x180;
	s22 =	simm.s32 $0x200  }
0x5: {  	s23 =	simm.s32 $0x4200;
	s24 =	simm.s32 $0x1;
	s28 =	simm.s32 $0x0  }
0x6: {  	[smem:$0x7FF] =	sst s2;
	s4 =	sand.u32 $0x1, s3;
	s5 =	sshll.u32 s1, $0x1  }
0x7: {  	s3 =	sadd.s32 $0x40000, s14;
	s15 =	sadd.s32 $0x60000, s14;
	s8 =	sor.u32 s4, s5  }
0x8: {  	_ =	strace $0x80000047;
	s4 =	ssub.s32 $0x2, s4;
	s5 =	sshll.u32 s8, $0x4  }
0x9: {  	s25 =	sshrl.u32 s4, $0x1;
	s6 =	sshll.u32 s8, $0x9;
	s26 =	sshll.u32 s8, $0x6  }
0xa: {  	s12 =	sshll.u32 s8, $0xD;
	s16 =	sadd.s32 s5, s14;
	s17 =	ssub.s32 s4, s25  }
0xb: {  	s9 =	sor.u32 $0x80, s6;
	s4 =	sadd.s32 s7, s26;
	s11 =	sor.u32 $0x100, s6  }
0xc: {  	s13 =	sor.u32 $0x180, s6;
	s8 =	sadd.s32 s14, s12;
	s25 =	simm.s32 $0x8200  }
0xd: {  	s26 =	simm.s32 $0xC200;
	s29 =	sshrl.u32 s9, $0x3;
	s10 =	sshrl.u32 s11, $0x3  }
0xe: {  	s30 =	sshrl.u32 s13, $0x3;
	s18 =	sshll.u32 s9, $0x4;
	s9 =	sadd.s32 s15, s12  }
0xf: {  	s19 =	sshll.u32 s11, $0x4;
	s31 =	sshll.u32 s13, $0x4;
	s16 =	sadd.s32 $0xA0000, s16  }
0x10: {  	s17 =	smax.u32 s17, $0x1;
	s5 =	sadd.s32 s7, s29;
	s6 =	sadd.s32 s7, s10  }
0x11: {  	s7 =	sadd.s32 s7, s30;
	s10 =	sadd.s32 s14, s18;
	s11 =	sadd.s32 s15, s18  }
0x12: {  	s12 =	sadd.s32 s14, s19;
	s13 =	sadd.s32 s15, s19;
	s14 =	sadd.s32 s14, s31  }
0x13: {  	s15 =	sadd.s32 s15, s31;
	s18 =	simm.s32 $0x2;
	s19 =	simm.s32 $0x80  }
.LBB2_1:
0x14: {  	[tilespmem:s2], [sflag:$0x2] =	stream.linear.gather [hbm4b:s4+s2], $0x80, $0x38;
	[tilespmem:$0xC280] =	vst v63  }
0x15: {  	_ =	swait.ge [sflag:s18], $0x80  }
0x16: {  	[sflag:s18] =	ssyncset.done $0x0  }
0x17: {  	[sflag:s18] =	ssyncadd.s32 $0xFFFFFF80  }
0x18: {  	[tilespmem:s19], [sflag:$0x2] =	stream.linear.gather [hbm4b:s5+s2], $0x80, $0x38;
	[tilespmem:$0xC280] =	vst v63  }
0x19: {  	_ =	swait.ge [sflag:s18], $0x80  }
0x1a: {  	[sflag:s18] =	ssyncset.done $0x0  }
0x1b: {  	[sflag:s18] =	ssyncadd.s32 $0xFFFFFF80  }
0x1c: {  	[tilespmem:s20], [sflag:$0x2] =	stream.linear.gather [hbm4b:s6+s2], $0x80, $0x38;
	[tilespmem:$0xC280] =	vst v63  }
0x1d: {  	_ =	swait.ge [sflag:s18], $0x80  }
0x1e: {  	[sflag:s18] =	ssyncset.done $0x0  }
0x1f: {  	[sflag:s18] =	ssyncadd.s32 $0xFFFFFF80  }
0x20: {  	[tilespmem:s21], [sflag:$0x2] =	stream.linear.gather [hbm4b:s7+s2], $0x80, $0x38;
	[tilespmem:$0xC280] =	vst v63  }
0x21: {  	_ =	swait.ge [sflag:s18], $0x80  }
0x22: {  	[sflag:s18] =	ssyncset.done $0x0  }
0x23: {  	[sflag:s18] =	ssyncadd.s32 $0xFFFFFF80  }
0x24: {  	[tilespmem:s22], [sflag:$0x1] =	stream.indirect.gather [hbm4b:s3+s19], $0x80, s2, s19, $0xb8;
	[tilespmem:$0xC280] =	vst v63  }
0x25: {  	_ = 	snop  }
0x26: {  	[tilespmem:s23], [sflag:$0x2] =	stream.linear.gather [hbm4b:s8+s2], $0x4000, $0x38;
	[tilespmem:$0xC280] =	vst v63  }
0x27: {  	_ =	swait.ge [sflag:s18], $0x4000  }
0x28: {  	[sflag:s18] =	ssyncset.done $0x0  }
0x29: {  	[sflag:s18] =	ssyncadd.s32 $0xFFFFC000  }
0x2a: {  	_ =	swait.ge [sflag:s24], $0x4000  }
0x2b: {  	[sflag:s24] =	ssyncset.done $0x0  }
0x2c: {  	s30 =	simm.s32 $0x0;
	[sflag:s24] =	ssyncadd.s32 $0xFFFFC000  }
0x2d: {  	v0 =	vld [tilespmem:s30+$0x210]  }
0x2e: {  	v1 =	vld [tilespmem:s30+$0x4210]  }
0x2f: {  	v3 =	vld [tilespmem:s30+$0x200]  }
0x30: {  	v7 =	vld [tilespmem:s30+$0x4200];
	_ =	sdelay $0x1  }
0x31: {  	s29 =	simm.s32 $0x80  }
0x32: {  	v2 =	vld [tilespmem:s29+$0x210];
	v0 =	vsub.f32 v0, v1  }
0x33: {  	v4 =	vld [tilespmem:s29+$0x4210]  }
0x34: {  	v5 =	vld [tilespmem:s29+$0x200];
	v3 =	vsub.f32 v3, v7;
	v1 =	vadd.f32 v0, v1;
	v8 =	vmul.f32 v0, v0  }
0x35: {  	v6 =	vld [tilespmem:s29+$0x4200];
	v0 =	vimm.f32 $0.0e+00  }
0x36: {  	s31 =	simm.s32 $0x400;
	v7 =	vadd.f32 v3, v7;
	v3 =	vmul.f32 v3, v3;
	[tilespmem:s30+$0x8210] =	vst v1;
	v1 =	vadd.f32 v8, v0  }
.LBB2_2:
0x37: {  	s0 =	sshra.s32 s31, $0x2;
	p0 =	sne.s32 s31, $0xFE00  }
.Ltmp0:
0x38: {  	s31 =	sadd.s32 $0x200, s31;
	v8 =	vsub.f32 v2, v4;
	v2 =	vld [tilespmem:s0+$0x210];
	[tilespmem:s30+$0x8200] =	vst v7;
	v0 =	vadd.f32 v3, v0;
	v3 =	vmov v4;
	(pc) =	sbr.rel @p0 .LBB2_2-.Ltmp0, $4  }
0x39: {  	s30 =	smov.u32 s29;
	s29 =	smov.u32 s0;
	v4 =	vld [tilespmem:s0+$0x4210]  }
0x3a: {  	v9 =	vsub.f32 v5, v6;
	v5 =	vld [tilespmem:s29+$0x200];
	v3 =	vadd.f32 v8, v3;
	v8 =	vmul.f32 v8, v8;
	v7 =	vmovc v6  }
0x3b: {  	v6 =	vld [tilespmem:s29+$0x4200]  }
0x3c: {  	v7 =	vadd.f32 v9, v7;
	[tilespmem:s30+$0x8210] =	vst v3;
	v3 =	vmul.f32 v9, v9;
	v1 =	vadd.f32 v8, v1  }
0x3d: {  	_ =	sdelay $0x1  }
0x3e: {  	v2 =	vsub.f32 v2, v4  }
0x3f: {  	v5 =	vsub.f32 v5, v6  }
0x40: {  	v4 =	vadd.f32 v2, v4  }
0x41: {  	[tilespmem:s30+$0x8200] =	vst v7;
	v6 =	vadd.f32 v5, v6  }
0x42: {  	[tilespmem:s29+$0x8210] =	vst v4  }
0x43: {  	s0 =	simm.s32 $0x0;
	[tilespmem:s29+$0x8200] =	vst v6  }
0x44: {  	[hbm4b:s9+s0] =	stream.linear.scatter [tilespmem:s25], [sflag:$0x2], $0x4000, $0x38;
	[tilespmem:$0xC280] =	vst v63  }
0x45: {  	_ =	swait.ge [sflag:s18], $0x4000  }
0x46: {  	[sflag:s18] =	ssyncset.done $0x0  }
0x47: {  	[sflag:s18] =	ssyncadd.s32 $0xFFFFC000  }
0x48: {  	[tilespmem:s22], [sflag:$0x1] =	stream.indirect.gather [hbm4b:s3+s19], $0x80, s19, s19, $0xb8;
	[tilespmem:$0xC280] =	vst v63  }
0x49: {  	_ = 	snop  }
0x4a: {  	[tilespmem:s23], [sflag:$0x2] =	stream.linear.gather [hbm4b:s10+s0], $0x4000, $0x38;
	[tilespmem:$0xC280] =	vst v63  }
0x4b: {  	_ =	swait.ge [sflag:s18], $0x4000  }
0x4c: {  	[sflag:s18] =	ssyncset.done $0x0  }
0x4d: {  	[sflag:s18] =	ssyncadd.s32 $0xFFFFC000  }
0x4e: {  	_ =	swait.ge [sflag:s24], $0x4000  }
0x4f: {  	[sflag:s24] =	ssyncset.done $0x0  }
0x50: {  	s30 =	simm.s32 $0x0;
	[sflag:s24] =	ssyncadd.s32 $0xFFFFC000  }
0x51: {  	v4 =	vld [tilespmem:s30+$0x210]  }
0x52: {  	v6 =	vld [tilespmem:s30+$0x4210]  }
0x53: {  	v7 =	vld [tilespmem:s30+$0x200]  }
0x54: {  	v8 =	vld [tilespmem:s30+$0x4200];
	_ =	sdelay $0x1  }
0x55: {  	v9 =	vmul.f32 v2, v2;
	s29 =	simm.s32 $0x80  }
0x56: {  	v2 =	vld [tilespmem:s29+$0x210];
	v10 =	vsub.f32 v4, v6  }
0x57: {  	v0 =	vadd.f32 v3, v0;
	v3 =	vmul.f32 v5, v5;
	v1 =	vadd.f32 v9, v1;
	v4 =	vld [tilespmem:s29+$0x4210]  }
0x58: {  	v5 =	vld [tilespmem:s29+$0x200];
	v63 =	vsub.f32 v7, v8;
	v11 =	vadd.f32 v10, v6;
	v10 =	vmul.f32 v10, v10  }
0x59: {  	v0 =	vadd.f32 v3, v0;
	v6 =	vld [tilespmem:s29+$0x4200]  }
0x5a: {  	s31 =	simm.s32 $0x400;
	v7 =	vadd.f32 v63, v8;
	v3 =	vmul.f32 v63, v63;
	[tilespmem:s30+$0x8210] =	vst v11;
	v1 =	vadd.f32 v10, v1  }
.LBB2_4:
0x5b: {  	s0 =	sshra.s32 s31, $0x2;
	p0 =	sne.s32 s31, $0xFE00  }
.Ltmp1:
0x5c: {  	s31 =	sadd.s32 $0x200, s31;
	v8 =	vsub.f32 v2, v4;
	v2 =	vld [tilespmem:s0+$0x210];
	[tilespmem:s30+$0x8200] =	vst v7;
	v0 =	vadd.f32 v3, v0;
	v3 =	vmov v4;
	(pc) =	sbr.rel @p0 .LBB2_4-.Ltmp1, $4  }
0x5d: {  	s30 =	smov.u32 s29;
	s29 =	smov.u32 s0;
	v4 =	vld [tilespmem:s0+$0x4210]  }
0x5e: {  	v9 =	vsub.f32 v5, v6;
	v5 =	vld [tilespmem:s29+$0x200];
	v3 =	vadd.f32 v8, v3;
	v8 =	vmul.f32 v8, v8;
	v7 =	vmovc v6  }
0x5f: {  	v6 =	vld [tilespmem:s29+$0x4200]  }
0x60: {  	v7 =	vadd.f32 v9, v7;
	[tilespmem:s30+$0x8210] =	vst v3;
	v3 =	vmul.f32 v9, v9;
	v1 =	vadd.f32 v8, v1  }
0x61: {  	_ =	sdelay $0x1  }
0x62: {  	v2 =	vsub.f32 v2, v4  }
0x63: {  	v5 =	vsub.f32 v5, v6  }
0x64: {  	v4 =	vadd.f32 v2, v4  }
0x65: {  	[tilespmem:s30+$0x8200] =	vst v7;
	v6 =	vadd.f32 v5, v6  }
0x66: {  	[tilespmem:s29+$0x8210] =	vst v4  }
0x67: {  	s0 =	simm.s32 $0x0;
	[tilespmem:s29+$0x8200] =	vst v6  }
0x68: {  	[hbm4b:s11+s0] =	stream.linear.scatter [tilespmem:s25], [sflag:$0x2], $0x4000, $0x38;
	[tilespmem:$0xC280] =	vst v63  }
0x69: {  	_ =	swait.ge [sflag:s18], $0x4000  }
0x6a: {  	[sflag:s18] =	ssyncset.done $0x0  }
0x6b: {  	[sflag:s18] =	ssyncadd.s32 $0xFFFFC000  }
0x6c: {  	[tilespmem:s22], [sflag:$0x1] =	stream.indirect.gather [hbm4b:s3+s19], $0x80, s20, s19, $0xb8;
	[tilespmem:$0xC280] =	vst v63  }
0x6d: {  	_ = 	snop  }
0x6e: {  	[tilespmem:s23], [sflag:$0x2] =	stream.linear.gather [hbm4b:s12+s0], $0x4000, $0x38;
	[tilespmem:$0xC280] =	vst v63  }
0x6f: {  	_ =	swait.ge [sflag:s18], $0x4000  }
0x70: {  	[sflag:s18] =	ssyncset.done $0x0  }
0x71: {  	[sflag:s18] =	ssyncadd.s32 $0xFFFFC000  }
0x72: {  	_ =	swait.ge [sflag:s24], $0x4000  }
0x73: {  	[sflag:s24] =	ssyncset.done $0x0  }
0x74: {  	s30 =	simm.s32 $0x0;
	[sflag:s24] =	ssyncadd.s32 $0xFFFFC000  }
0x75: {  	v4 =	vld [tilespmem:s30+$0x210]  }
0x76: {  	v6 =	vld [tilespmem:s30+$0x4210]  }
0x77: {  	v7 =	vld [tilespmem:s30+$0x200]  }
0x78: {  	v8 =	vld [tilespmem:s30+$0x4200];
	_ =	sdelay $0x1  }
0x79: {  	v9 =	vmul.f32 v2, v2;
	s29 =	simm.s32 $0x80  }
0x7a: {  	v2 =	vld [tilespmem:s29+$0x210];
	v10 =	vsub.f32 v4, v6  }
0x7b: {  	v0 =	vadd.f32 v3, v0;
	v3 =	vmul.f32 v5, v5;
	v1 =	vadd.f32 v9, v1;
	v4 =	vld [tilespmem:s29+$0x4210]  }
0x7c: {  	v5 =	vld [tilespmem:s29+$0x200];
	v63 =	vsub.f32 v7, v8;
	v11 =	vadd.f32 v10, v6;
	v10 =	vmul.f32 v10, v10  }
0x7d: {  	v0 =	vadd.f32 v3, v0;
	v6 =	vld [tilespmem:s29+$0x4200]  }
0x7e: {  	s31 =	simm.s32 $0x400;
	v7 =	vadd.f32 v63, v8;
	v3 =	vmul.f32 v63, v63;
	[tilespmem:s30+$0x8210] =	vst v11;
	v1 =	vadd.f32 v10, v1  }
.LBB2_6:
0x7f: {  	s0 =	sshra.s32 s31, $0x2;
	p0 =	sne.s32 s31, $0xFE00  }
.Ltmp2:
0x80: {  	s31 =	sadd.s32 $0x200, s31;
	v8 =	vsub.f32 v2, v4;
	v2 =	vld [tilespmem:s0+$0x210];
	[tilespmem:s30+$0x8200] =	vst v7;
	v0 =	vadd.f32 v3, v0;
	v3 =	vmov v4;
	(pc) =	sbr.rel @p0 .LBB2_6-.Ltmp2, $4  }
0x81: {  	s30 =	smov.u32 s29;
	s29 =	smov.u32 s0;
	v4 =	vld [tilespmem:s0+$0x4210]  }
0x82: {  	v9 =	vsub.f32 v5, v6;
	v5 =	vld [tilespmem:s29+$0x200];
	v3 =	vadd.f32 v8, v3;
	v8 =	vmul.f32 v8, v8;
	v7 =	vmovc v6  }
0x83: {  	v6 =	vld [tilespmem:s29+$0x4200]  }
0x84: {  	v7 =	vadd.f32 v9, v7;
	[tilespmem:s30+$0x8210] =	vst v3;
	v3 =	vmul.f32 v9, v9;
	v1 =	vadd.f32 v8, v1  }
0x85: {  	_ =	sdelay $0x1  }
0x86: {  	v2 =	vsub.f32 v2, v4  }
0x87: {  	v5 =	vsub.f32 v5, v6  }
0x88: {  	v4 =	vadd.f32 v2, v4  }
0x89: {  	[tilespmem:s30+$0x8200] =	vst v7;
	v6 =	vadd.f32 v5, v6  }
0x8a: {  	[tilespmem:s29+$0x8210] =	vst v4  }
0x8b: {  	s0 =	simm.s32 $0x0;
	[tilespmem:s29+$0x8200] =	vst v6  }
0x8c: {  	[hbm4b:s13+s0] =	stream.linear.scatter [tilespmem:s25], [sflag:$0x2], $0x4000, $0x38;
	[tilespmem:$0xC280] =	vst v63  }
0x8d: {  	_ =	swait.ge [sflag:s18], $0x4000  }
0x8e: {  	[sflag:s18] =	ssyncset.done $0x0  }
0x8f: {  	[sflag:s18] =	ssyncadd.s32 $0xFFFFC000  }
0x90: {  	[tilespmem:s22], [sflag:$0x1] =	stream.indirect.gather [hbm4b:s3+s19], $0x80, s21, s19, $0xb8;
	[tilespmem:$0xC280] =	vst v63  }
0x91: {  	_ = 	snop  }
0x92: {  	[tilespmem:s23], [sflag:$0x2] =	stream.linear.gather [hbm4b:s14+s0], $0x4000, $0x38;
	[tilespmem:$0xC280] =	vst v63  }
0x93: {  	_ =	swait.ge [sflag:s18], $0x4000  }
0x94: {  	[sflag:s18] =	ssyncset.done $0x0  }
0x95: {  	[sflag:s18] =	ssyncadd.s32 $0xFFFFC000  }
0x96: {  	_ =	swait.ge [sflag:s24], $0x4000  }
0x97: {  	[sflag:s24] =	ssyncset.done $0x0  }
0x98: {  	s30 =	simm.s32 $0x0;
	[sflag:s24] =	ssyncadd.s32 $0xFFFFC000  }
0x99: {  	v4 =	vld [tilespmem:s30+$0x210]  }
0x9a: {  	v6 =	vld [tilespmem:s30+$0x4210]  }
0x9b: {  	v7 =	vld [tilespmem:s30+$0x200]  }
0x9c: {  	v8 =	vld [tilespmem:s30+$0x4200];
	_ =	sdelay $0x1  }
0x9d: {  	v9 =	vmul.f32 v2, v2;
	s29 =	simm.s32 $0x80  }
0x9e: {  	v2 =	vld [tilespmem:s29+$0x210];
	v4 =	vsub.f32 v4, v6  }
0x9f: {  	v10 =	vadd.f32 v3, v0;
	v5 =	vmul.f32 v5, v5;
	v9 =	vadd.f32 v9, v1;
	v0 =	vld [tilespmem:s29+$0x4210]  }
0xa0: {  	v3 =	vld [tilespmem:s29+$0x200];
	v7 =	vsub.f32 v7, v8;
	v11 =	vadd.f32 v4, v6;
	v4 =	vmul.f32 v4, v4  }
0xa1: {  	v1 =	vadd.f32 v5, v10;
	v5 =	vld [tilespmem:s29+$0x4200]  }
0xa2: {  	s31 =	simm.s32 $0x400;
	v6 =	vadd.f32 v7, v8;
	v7 =	vmul.f32 v7, v7;
	[tilespmem:s30+$0x8210] =	vst v11;
	v4 =	vadd.f32 v4, v9  }
.LBB2_8:
0xa3: {  	s0 =	sshra.s32 s31, $0x2;
	p0 =	sne.s32 s31, $0xFE00  }
.Ltmp3:
0xa4: {  	s31 =	sadd.s32 $0x200, s31;
	v8 =	vsub.f32 v2, v0;
	v2 =	vld [tilespmem:s0+$0x210];
	[tilespmem:s30+$0x8200] =	vst v6;
	v1 =	vadd.f32 v7, v1;
	v10 =	vmov v0;
	(pc) =	sbr.rel @p0 .LBB2_8-.Ltmp3, $4  }
0xa5: {  	s30 =	smov.u32 s29;
	s29 =	smov.u32 s0;
	v0 =	vld [tilespmem:s0+$0x4210]  }
0xa6: {  	v7 =	vsub.f32 v3, v5;
	v3 =	vld [tilespmem:s29+$0x200];
	v9 =	vadd.f32 v8, v10;
	v8 =	vmul.f32 v8, v8;
	v6 =	vmovc v5  }
0xa7: {  	v5 =	vld [tilespmem:s29+$0x4200]  }
0xa8: {  	v6 =	vadd.f32 v7, v6;
	[tilespmem:s30+$0x8210] =	vst v9;
	v7 =	vmul.f32 v7, v7;
	v4 =	vadd.f32 v8, v4  }
0xa9: {  	_ =	sdelay $0x1  }
0xaa: {  	v2 =	vsub.f32 v2, v0  }
0xab: {  	v3 =	vsub.f32 v3, v5  }
0xac: {  	v0 =	vadd.f32 v2, v0  }
0xad: {  	[tilespmem:s30+$0x8200] =	vst v6;
	v5 =	vadd.f32 v3, v5  }
0xae: {  	v1 =	vadd.f32 v7, v1;
	v2 =	vmul.f32 v2, v2;
	[tilespmem:s29+$0x8210] =	vst v0;
	v63 =	vmul.f32 v3, v3  }
0xaf: {  	[tilespmem:s29+$0x8200] =	vst v5  }
0xb0: {  	v2 =	vadd.f32 v2, v4;
	v0 =	vadd.f32 v63, v1;
	[hbm4b:s15+s2] =	stream.linear.scatter [tilespmem:s25], [sflag:$0x2], $0x4000, $0x38;
	[tilespmem:$0xC280] =	vst v63  }
0xb1: {  	_ =	swait.ge [sflag:s18], $0x4000  }
0xb2: {  	s28 =	sadd.s32 $0x1, s28;
	v0 =	vadd.f32 v2, v0;
	[sflag:s18] =	ssyncset.done $0x0  }
0xb3: {  	p0 =	sne.s32 s28, s17;
	[sflag:s18] =	ssyncadd.s32 $0xFFFFC000  }
.Ltmp4:
0xb4: {  	[tilespmem:$0xC200] =	vst v0;
	(pc) =	sbr.rel @p0 .LBB2_1-.Ltmp4, $4  }
0xb5: {  	[hbm4b:s16+s2] =	stream.linear.scatter [tilespmem:s26], [sflag:$0x2], $0x80, $0x38;
	[tilespmem:$0xC280] =	vst v63  }
0xb6: {  	_ =	swait.ge [sflag:s18], $0x80  }
0xb7: {  	[sflag:s18] =	ssyncset.done $0x0  }
0xb8: {  	[sflag:s18] =	ssyncadd.s32 $0xFFFFFF80  }
0xb9: {  	_ =	sfence.sel $0x180000  }
0xba: {  	[bflag:$0x0] =	sbarrier.arrive $0xFFFF  }
0xbb: {  	_ =	strace $0x90000047  }
0xbc: {  	[bflag:$0x2] =	sbarrier.arrive $0xFFFF  }
0xbd: {  	p0 =	sne.s32 s1, $0x0;
	s0 =	rddreg [dreg:$0x2]  }
0xbe: {  	s0 =	sadd.s32 @!p0 $0x100000, s0  }
0xbf: {  	[sflag:s0] =	ssyncadd.tile.s32 @!p0 $0x1;
	_ =	shalt  }
.Lfunc_end2:
_tile_overlayer_lowered:
.L_overlay_start_2:
0xc0: {  	(tag) =	ssettag $0x2  }
0xc1: {  	s0 =	rddreg [dreg:$0x0];
	s2 =	stileid.u32  }
0xc2: {  	s1 =	rddreg [dreg:$0x1];
	p0 =	sne.s32 s2, $0x0  }
0xc3: {  	s3 =	rddreg [dreg:$0x2];
	[bflag:$0x3] =	sbarrier.arrive $0xFFFF;
	s2 =	simm.s32 @!p0 $0x1C02  }
0xc4: {  	[timem:s3], [sflag:s2] =	dma.local @!p0 [hbm:s0], s1  }
0xc5: {  	s0 =	simm.s32 @!p0 $0x2  }
0xc6: {  	_ =	swait.ge @!p0 [sflag:s0], s1  }
0xc7: {  	s1 =	ssub.s32 @!p0 $0x0, s1;
	[sflag:s0] =	ssyncset.done @!p0 $0x0  }
0xc8: {  	[sflag:s0] =	ssyncadd.s32 @!p0 s1  }
0xc9: {  	[bflag:$0x3] =	sbarrier.arrive $0xFFFF  }
0xca: {  	_ =	shalt  }

</sc_bundles>
